<compile_context>
chip_gen: v7x
topology: tpu7x:2x2x1
jax: 0.10.2.dev20260603
libtpu: 0.0.44.dev20260713+nightly
codegen_flags: <defaults>
</compile_context>

<pallas_src>
import functools

import jax
import jax.numpy as jnp
import numpy as np
from jax import lax
from jax.experimental import pallas as pl
from jax.experimental.pallas import tpu as pltpu
from jax.experimental.pallas import tpu_sc as plsc

N_PROT = 10000
N_PATH = 10000
N_EDGE = 320000
D = 128

NC = 2
NS = 16
CHUNK = 128
NPH = 4
PH = 40
NCHT = NS * NPH * PH
E_PAD = NCHT * CHUNK
R_TILE = 656
R_PAD = NS * R_TILE


def _mm_body(h_ref, w_ref, o_ref):
    o_ref[...] = jnp.dot(h_ref[...], w_ref[...],
                         preferred_element_type=jnp.float32)


def _fin_body(p_ref, q_ref, b_ref, o_ref):
    o_ref[...] = jnp.maximum(p_ref[...] + q_ref[...] + b_ref[...], 0.0)


def _sc_body(msg_hbm, src_hbm, dst_hbm, out_hbm,
             src_v, dst_v, buf0, buf1, agg, sem0, sem1, *, offset, nph):
    c = lax.axis_index("c")
    s = lax.axis_index("s")

    @pl.when(c == 0)
    def _work():
        zv = jnp.zeros((16,), jnp.float32)

        def zrow(r, _):
            for k8 in range(D // 16):
                buf0[r, pl.ds(k8 * 16, 16)] = zv
            return 0

        lax.fori_loop(0, CHUNK, zrow, 0)
        for j in range(R_TILE // CHUNK):
            pltpu.sync_copy(buf0, agg.at[pl.ds(s * R_TILE + j * CHUNK, CHUNK)])
        rem = R_TILE % CHUNK
        if rem:
            pltpu.sync_copy(
                buf0.at[pl.ds(0, rem)],
                agg.at[pl.ds(s * R_TILE + (R_TILE // CHUNK) * CHUNK, rem)])
        plsc.subcore_barrier()

        def phase(p, _):
            row0 = offset + (s * nph + p) * PH
            pltpu.sync_copy(src_hbm.at[pl.ds(row0, PH)], src_v)
            pltpu.sync_copy(dst_hbm.at[pl.ds(row0, PH)], dst_v)

            pltpu.async_copy(msg_hbm.at[src_v.at[0]], buf0, sem0)
            pltpu.async_copy(msg_hbm.at[src_v.at[1]], buf1, sem1)

            def body(k, _):
                j = 2 * k
                pltpu.make_async_copy(msg_hbm.at[src_v.at[j]], buf0,
                                      sem0).wait()
                pltpu.sync_copy(buf0, agg.at[dst_v.at[j]], add=True)
                pltpu.async_copy(msg_hbm.at[src_v.at[j + 2]], buf0, sem0)
                pltpu.make_async_copy(msg_hbm.at[src_v.at[j + 1]], buf1,
                                      sem1).wait()
                pltpu.sync_copy(buf1, agg.at[dst_v.at[j + 1]], add=True)
                pltpu.async_copy(msg_hbm.at[src_v.at[j + 3]], buf1, sem1)
                return 0

            lax.fori_loop(0, PH // 2 - 1, body, 0)

            pltpu.make_async_copy(msg_hbm.at[src_v.at[PH - 2]], buf0,
                                  sem0).wait()
            pltpu.sync_copy(buf0, agg.at[dst_v.at[PH - 2]], add=True)
            pltpu.make_async_copy(msg_hbm.at[src_v.at[PH - 1]], buf1,
                                  sem1).wait()
            pltpu.sync_copy(buf1, agg.at[dst_v.at[PH - 1]], add=True)
            return 0

        lax.fori_loop(0, nph, phase, 0)

        plsc.subcore_barrier()
        pltpu.sync_copy(agg.at[pl.ds(s * R_TILE, R_TILE)],
                        out_hbm.at[pl.ds(s * R_TILE, R_TILE)])


def _make_sc(offset, nph):
    return pl.kernel(
        functools.partial(_sc_body, offset=offset, nph=nph),
        out_type=jax.ShapeDtypeStruct((R_PAD, D), jnp.float32),
        mesh=plsc.VectorSubcoreMesh(core_axis_name="c", subcore_axis_name="s",
                                    num_cores=NC, num_subcores=NS),
        scratch_types=[
            pltpu.VMEM((PH, CHUNK), jnp.int32),
            pltpu.VMEM((PH, CHUNK), jnp.int32),
            pltpu.VMEM((CHUNK, D), jnp.float32),
            pltpu.VMEM((CHUNK, D), jnp.float32),
            pltpu.VMEM_SHARED((R_PAD, D), jnp.float32),
            pltpu.SemaphoreType.DMA,
            pltpu.SemaphoreType.DMA,
        ],
    )


_sc_scatter_a = _make_sc(0, NPH // 2)
_sc_scatter_b = _make_sc(NS * (NPH // 2) * PH, NPH // 2)


_PAD_N = E_PAD - N_EDGE
_pad_pos = np.round(np.linspace(0, E_PAD - 1, _PAD_N)).astype(np.int64)
_mask = np.zeros(E_PAD, dtype=bool)
_mask[_pad_pos] = True
_order = np.empty(E_PAD, dtype=np.int32)
_order[~_mask] = np.arange(N_EDGE, dtype=np.int32)
_order[_mask] = N_EDGE + np.arange(_PAD_N, dtype=np.int32)
_PAD_DST = N_PROT + (np.arange(_PAD_N, dtype=np.int32) % (R_PAD - N_PROT))


def kernel(h_p, h_path, edge_index, W, b):
    src = edge_index[0].astype(jnp.int32)
    dst = edge_index[1].astype(jnp.int32)
    order = jnp.asarray(_order)
    src = jnp.concatenate([src, jnp.zeros((_PAD_N,), jnp.int32)])[order]
    dst = jnp.concatenate([dst, jnp.asarray(_PAD_DST)])[order]
    src3 = src.reshape(NCHT, CHUNK)
    dst3 = dst.reshape(NCHT, CHUNK)

    msg = pl.pallas_call(
        _mm_body,
        grid=(10,),
        in_specs=[pl.BlockSpec((N_PATH // 10, D), lambda i: (i, 0)),
                  pl.BlockSpec((D, D), lambda i: (0, 0))],
        out_specs=pl.BlockSpec((N_PATH // 10, D), lambda i: (i, 0)),
        out_shape=jax.ShapeDtypeStruct((N_PATH, D), jnp.float32),
    )(h_path, W)

    agg_a = _sc_scatter_a(msg, src3, dst3)
    agg_b = _sc_scatter_b(msg, src3, dst3)

    out = pl.pallas_call(
        _fin_body,
        grid=(10,),
        in_specs=[pl.BlockSpec((N_PROT // 10, D), lambda i: (i, 0)),
                  pl.BlockSpec((N_PROT // 10, D), lambda i: (i, 0)),
                  pl.BlockSpec((1, D), lambda i: (0, 0))],
        out_specs=pl.BlockSpec((N_PROT // 10, D), lambda i: (i, 0)),
        out_shape=jax.ShapeDtypeStruct((N_PROT, D), jnp.float32),
    )(agg_a, agg_b, b.reshape(1, D))
    return out

# --- scband reference (transcript-rebuilt; emitter-appended) ---
"""Pipeline reference for scband-pathway-to-p-9457517986564 (READ-ONLY COPY).

The authoritative reference and input builder live on the scoring server;
editing this copy changes nothing except your own understanding.
"""

import jax, jax.numpy as jnp
import numpy as np

N_PROT = 10000
N_PATH = 10000
N_EDGE = 320000
D = 128

def setup_inputs(seed: int = 0) -> dict:
    key = jax.random.key(seed)
    k1, k2, k3, k4, k5 = jax.random.split(key, 5)
    h_p = jax.random.normal(k1, (N_PROT, D), dtype=jnp.float32)
    h_path = jax.random.normal(k2, (N_PATH, D), dtype=jnp.float32)
    # edge_index row 0: pathway (src) ids, row 1: protein (dst) ids
    edge_index = jax.random.randint(k3, (2, N_EDGE), 0, N_PROT, dtype=jnp.int64)
    # GraphConv weight + bias for the 'path-p' relation (n_hidden -> n_hidden)
    lim = 1.0 / np.sqrt(D)
    W = jax.random.uniform(k4, (D, D), minval=-lim, maxval=lim, dtype=jnp.float32)
    b = jnp.zeros((D,), dtype=jnp.float32)
    return {"h_p": h_p, "h_path": h_path, "edge_index": edge_index, "W": W, "b": b}

def reference(h_p, h_path, edge_index, W, b):
    # HeteroGraphConv({'path-p': GraphConv(norm='none', weight=True, bias=True, activation=relu)}, aggregate='sum')
    # norm='none' -> dst features (h_p) unused in the conv math; plain sum-aggregation of W-transformed src feats.
    src = edge_index[0]
    dst = edge_index[1]
    msg = h_path @ W                      # transform pathway (src) features
    gathered = jnp.take(msg, src, axis=0) # gather per-edge messages
    agg = jnp.zeros((h_p.shape[0], W.shape[1]), dtype=msg.dtype).at[dst].add(gathered)  # scatter-add to proteins
    out = jax.nn.relu(agg + b)            # bias then activation (GraphConv order)
    # aggregate='sum' over a single relation -> identity; h1['protein'] = out
    return out

if False:  # reference __main__ guard neutralized (emitter)
    inp = setup_inputs()
    o = reference(**inp)
    print(o.shape, o.dtype)

if __name__ == "__main__":
    import jax
    _d = setup_inputs()
    print(jax.jit(kernel)(*tuple(_d.values())))

</pallas_src>

<mosaic_0001>
#map = affine_map<(d0, d1) -> (0, 0)>
module attributes {stable_mosaic.version = 14 : i64} {
  func.func @_sc_body(%arg0: i32, %arg1: i32, %arg2: memref<10000x128xf32, #tpu.memory_space<hbm>>, %arg3: memref<2560x128xi32, #tpu.memory_space<hbm>>, %arg4: memref<2560x128xi32, #tpu.memory_space<hbm>>, %arg5: memref<10496x128xf32, #tpu.memory_space<hbm>>, %arg6: memref<40x128xi32, #tpu.memory_space<vmem>>, %arg7: memref<40x128xi32, #tpu.memory_space<vmem>>, %arg8: memref<128x128xf32, #tpu.memory_space<vmem>>, %arg9: memref<128x128xf32, #tpu.memory_space<vmem>>, %arg10: memref<10496x128xf32, #tpu.memory_space<vmem_shared>>, %arg11: memref<!tpu.dma_semaphore, #tpu.memory_space<semaphore_mem>>, %arg12: memref<!tpu.dma_semaphore, #tpu.memory_space<semaphore_mem>>) attributes {dimension_semantics = [#tpu.dimension_semantics<core_parallel>, #tpu.dimension_semantics<subcore_parallel>], iteration_bounds = array<i64: 2, 16>, scalar_prefetch = 0 : i64, scratch_operands = 7 : i64, tpu.core_type = #tpu.core_type<sc_vector_subcore>, window_params = [{transform_indices = #map}, {transform_indices = #map}, {transform_indices = #map}, {transform_indices = #map}]} {
    %eq3A = arith.constant 0 : i32
    %eq3A_0 = arith.cmpi eq, %arg0, %eq3A : i32
    %convert_element_type3A = arith.extui %eq3A_0 : i1 to i32
    %cond3A = arith.constant 0 : i32
    %cond3A_1 = arith.cmpi ne, %convert_element_type3A, %cond3A : i32
    scf.if %cond3A_1 {
      %broadcast_in_dim3A = arith.constant 0.000000e+00 : f32
      %broadcast_in_dim3A_2 = vector.broadcast %broadcast_in_dim3A : f32 to vector<16xf32>
      %scan3A = arith.constant 0 : i32
      %scan3A_3 = arith.constant 0 : i32
      %scan3A_4 = arith.constant 128 : i32
      %scan3A_5 = arith.addi %scan3A_3, %scan3A_4 : i32
      %scan3A_6 = arith.constant 1 : i32
      %scan3A_7 = scf.for %scan3A_43 = %scan3A_3 to %scan3A_5 step %scan3A_6 iter_args(%scan3A_44 = %scan3A) -> (i32)  : i32 {
        %swap3A = arith.index_cast %scan3A_43 : i32 to index
        %swap3A_45 = arith.constant 0 : index
        %swap3A_46 = tpu.vector_load %arg8[%swap3A, %swap3A_45] {strides = array<i32>} : memref<128x128xf32, #tpu.memory_space<vmem>>, vector<1x16xf32>,
        %swap3A_47 = vector.shape_cast %swap3A_46 : vector<1x16xf32> to vector<16xf32>
        %swap3A_48 = vector.shape_cast %broadcast_in_dim3A_2 : vector<16xf32> to vector<1x16xf32>
        tpu.vector_store %arg8[%swap3A, %swap3A_45], %swap3A_48 {strides = array<i32>} : memref<128x128xf32, #tpu.memory_space<vmem>>, vector<1x16xf32>,
        %swap3A_49 = arith.index_cast %scan3A_43 : i32 to index
        %swap3A_50 = arith.constant 16 : index
        %swap3A_51 = tpu.vector_load %arg8[%swap3A_49, %swap3A_50] {strides = array<i32>} : memref<128x128xf32, #tpu.memory_space<vmem>>, vector<1x16xf32>,
        %swap3A_52 = vector.shape_cast %swap3A_51 : vector<1x16xf32> to vector<16xf32>
        %swap3A_53 = vector.shape_cast %broadcast_in_dim3A_2 : vector<16xf32> to vector<1x16xf32>
        tpu.vector_store %arg8[%swap3A_49, %swap3A_50], %swap3A_53 {strides = array<i32>} : memref<128x128xf32, #tpu.memory_space<vmem>>, vector<1x16xf32>,
        %swap3A_54 = arith.index_cast %scan3A_43 : i32 to index
        %swap3A_55 = arith.constant 32 : index
        %swap3A_56 = tpu.vector_load %arg8[%swap3A_54, %swap3A_55] {strides = array<i32>} : memref<128x128xf32, #tpu.memory_space<vmem>>, vector<1x16xf32>,
        %swap3A_57 = vector.shape_cast %swap3A_56 : vector<1x16xf32> to vector<16xf32>
        %swap3A_58 = vector.shape_cast %broadcast_in_dim3A_2 : vector<16xf32> to vector<1x16xf32>
        tpu.vector_store %arg8[%swap3A_54, %swap3A_55], %swap3A_58 {strides = array<i32>} : memref<128x128xf32, #tpu.memory_space<vmem>>, vector<1x16xf32>,
        %swap3A_59 = arith.index_cast %scan3A_43 : i32 to index
        %swap3A_60 = arith.constant 48 : index
        %swap3A_61 = tpu.vector_load %arg8[%swap3A_59, %swap3A_60] {strides = array<i32>} : memref<128x128xf32, #tpu.memory_space<vmem>>, vector<1x16xf32>,
        %swap3A_62 = vector.shape_cast %swap3A_61 : vector<1x16xf32> to vector<16xf32>
        %swap3A_63 = vector.shape_cast %broadcast_in_dim3A_2 : vector<16xf32> to vector<1x16xf32>
        tpu.vector_store %arg8[%swap3A_59, %swap3A_60], %swap3A_63 {strides = array<i32>} : memref<128x128xf32, #tpu.memory_space<vmem>>, vector<1x16xf32>,
        %swap3A_64 = arith.index_cast %scan3A_43 : i32 to index
        %swap3A_65 = arith.constant 64 : index
        %swap3A_66 = tpu.vector_load %arg8[%swap3A_64, %swap3A_65] {strides = array<i32>} : memref<128x128xf32, #tpu.memory_space<vmem>>, vector<1x16xf32>,
        %swap3A_67 = vector.shape_cast %swap3A_66 : vector<1x16xf32> to vector<16xf32>
        %swap3A_68 = vector.shape_cast %broadcast_in_dim3A_2 : vector<16xf32> to vector<1x16xf32>
        tpu.vector_store %arg8[%swap3A_64, %swap3A_65], %swap3A_68 {strides = array<i32>} : memref<128x128xf32, #tpu.memory_space<vmem>>, vector<1x16xf32>,
        %swap3A_69 = arith.index_cast %scan3A_43 : i32 to index
        %swap3A_70 = arith.constant 80 : index
        %swap3A_71 = tpu.vector_load %arg8[%swap3A_69, %swap3A_70] {strides = array<i32>} : memref<128x128xf32, #tpu.memory_space<vmem>>, vector<1x16xf32>,
        %swap3A_72 = vector.shape_cast %swap3A_71 : vector<1x16xf32> to vector<16xf32>
        %swap3A_73 = vector.shape_cast %broadcast_in_dim3A_2 : vector<16xf32> to vector<1x16xf32>
        tpu.vector_store %arg8[%swap3A_69, %swap3A_70], %swap3A_73 {strides = array<i32>} : memref<128x128xf32, #tpu.memory_space<vmem>>, vector<1x16xf32>,
        %swap3A_74 = arith.index_cast %scan3A_43 : i32 to index
        %swap3A_75 = arith.constant 96 : index
        %swap3A_76 = tpu.vector_load %arg8[%swap3A_74, %swap3A_75] {strides = array<i32>} : memref<128x128xf32, #tpu.memory_space<vmem>>, vector<1x16xf32>,
        %swap3A_77 = vector.shape_cast %swap3A_76 : vector<1x16xf32> to vector<16xf32>
        %swap3A_78 = vector.shape_cast %broadcast_in_dim3A_2 : vector<16xf32> to vector<1x16xf32>
        tpu.vector_store %arg8[%swap3A_74, %swap3A_75], %swap3A_78 {strides = array<i32>} : memref<128x128xf32, #tpu.memory_space<vmem>>, vector<1x16xf32>,
        %swap3A_79 = arith.index_cast %scan3A_43 : i32 to index
        %swap3A_80 = arith.constant 112 : index
        %swap3A_81 = tpu.vector_load %arg8[%swap3A_79, %swap3A_80] {strides = array<i32>} : memref<128x128xf32, #tpu.memory_space<vmem>>, vector<1x16xf32>,
        %swap3A_82 = vector.shape_cast %swap3A_81 : vector<1x16xf32> to vector<16xf32>
        %swap3A_83 = vector.shape_cast %broadcast_in_dim3A_2 : vector<16xf32> to vector<1x16xf32>
        tpu.vector_store %arg8[%swap3A_79, %swap3A_80], %swap3A_83 {strides = array<i32>} : memref<128x128xf32, #tpu.memory_space<vmem>>, vector<1x16xf32>,
        %scan3A_84 = arith.constant 0 : i32
        scf.yield %scan3A_84 : i32
      }
      %scan3A_8 = arith.constant 128 : i32
      %mul3A = arith.constant 656 : i32
      %mul3A_9 = arith.muli %arg1, %mul3A : i32
      %add3A = arith.constant 0 : i32
      %add3A_10 = arith.addi %mul3A_9, %add3A : i32
      "tpu.region"() ({
        %run_scoped3A = tpu.sem_alloc : memref<!tpu.dma_semaphore, #tpu.memory_space<semaphore_mem>>
        %dma_start3A = arith.constant 0 : i32
        %dma_start3A_43 = tpu.memref_slice %arg10[%add3A_10, %dma_start3A] : memref<10496x128xf32, #tpu.memory_space<vmem_shared>> -> memref<128x128xf32, #tpu.memory_space<vmem_shared>>
        %dma_start3A_44 = arith.constant 0 : i32
        %dma_start3A_45 = tpu.memref_slice %arg10[%add3A_10, %dma_start3A_44] : memref<10496x128xf32, #tpu.memory_space<vmem_shared>> -> memref<128x128xf32, #tpu.memory_space<vmem_shared>>
        tpu.enqueue_dma source(%arg8 : memref<128x128xf32, #tpu.memory_space<vmem>>) target(%dma_start3A_45 : memref<128x128xf32, #tpu.memory_space<vmem_shared>>) target_semaphore(%run_scoped3A : memref<!tpu.dma_semaphore, #tpu.memory_space<semaphore_mem>>)
        %dma_wait3A = arith.constant 0 : i32
        %dma_wait3A_46 = tpu.memref_slice %arg10[%add3A_10, %dma_wait3A] : memref<10496x128xf32, #tpu.memory_space<vmem_shared>> -> memref<128x128xf32, #tpu.memory_space<vmem_shared>>
        %dma_wait3A_47 = arith.constant 0 : i32
        %dma_wait3A_48 = tpu.memref_slice %arg10[%add3A_10, %dma_wait3A_47] : memref<10496x128xf32, #tpu.memory_space<vmem_shared>> -> memref<128x128xf32, #tpu.memory_space<vmem_shared>>
        tpu.wait_dma2 semaphore(%run_scoped3A : memref<!tpu.dma_semaphore, #tpu.memory_space<semaphore_mem>>) src(%arg8 : memref<128x128xf32, #tpu.memory_space<vmem>>) dst(%dma_wait3A_48 : memref<128x128xf32, #tpu.memory_space<vmem_shared>>)
        tpu.yield
      }) : () -> ()
      %mul3A_11 = arith.constant 656 : i32
      %mul3A_12 = arith.muli %arg1, %mul3A_11 : i32
      %add3A_13 = arith.constant 128 : i32
      %add3A_14 = arith.addi %mul3A_12, %add3A_13 : i32
      "tpu.region"() ({
        %run_scoped3A = tpu.sem_alloc : memref<!tpu.dma_semaphore, #tpu.memory_space<semaphore_mem>>
        %dma_start3A = arith.constant 0 : i32
        %dma_start3A_43 = tpu.memref_slice %arg10[%add3A_14, %dma_start3A] : memref<10496x128xf32, #tpu.memory_space<vmem_shared>> -> memref<128x128xf32, #tpu.memory_space<vmem_shared>>
        %dma_start3A_44 = arith.constant 0 : i32
        %dma_start3A_45 = tpu.memref_slice %arg10[%add3A_14, %dma_start3A_44] : memref<10496x128xf32, #tpu.memory_space<vmem_shared>> -> memref<128x128xf32, #tpu.memory_space<vmem_shared>>
        tpu.enqueue_dma source(%arg8 : memref<128x128xf32, #tpu.memory_space<vmem>>) target(%dma_start3A_45 : memref<128x128xf32, #tpu.memory_space<vmem_shared>>) target_semaphore(%run_scoped3A : memref<!tpu.dma_semaphore, #tpu.memory_space<semaphore_mem>>)
        %dma_wait3A = arith.constant 0 : i32
        %dma_wait3A_46 = tpu.memref_slice %arg10[%add3A_14, %dma_wait3A] : memref<10496x128xf32, #tpu.memory_space<vmem_shared>> -> memref<128x128xf32, #tpu.memory_space<vmem_shared>>
        %dma_wait3A_47 = arith.constant 0 : i32
        %dma_wait3A_48 = tpu.memref_slice %arg10[%add3A_14, %dma_wait3A_47] : memref<10496x128xf32, #tpu.memory_space<vmem_shared>> -> memref<128x128xf32, #tpu.memory_space<vmem_shared>>
        tpu.wait_dma2 semaphore(%run_scoped3A : memref<!tpu.dma_semaphore, #tpu.memory_space<semaphore_mem>>) src(%arg8 : memref<128x128xf32, #tpu.memory_space<vmem>>) dst(%dma_wait3A_48 : memref<128x128xf32, #tpu.memory_space<vmem_shared>>)
        tpu.yield
      }) : () -> ()
      %mul3A_15 = arith.constant 656 : i32
      %mul3A_16 = arith.muli %arg1, %mul3A_15 : i32
      %add3A_17 = arith.constant 256 : i32
      %add3A_18 = arith.addi %mul3A_16, %add3A_17 : i32
      "tpu.region"() ({
        %run_scoped3A = tpu.sem_alloc : memref<!tpu.dma_semaphore, #tpu.memory_space<semaphore_mem>>
        %dma_start3A = arith.constant 0 : i32
        %dma_start3A_43 = tpu.memref_slice %arg10[%add3A_18, %dma_start3A] : memref<10496x128xf32, #tpu.memory_space<vmem_shared>> -> memref<128x128xf32, #tpu.memory_space<vmem_shared>>
        %dma_start3A_44 = arith.constant 0 : i32
        %dma_start3A_45 = tpu.memref_slice %arg10[%add3A_18, %dma_start3A_44] : memref<10496x128xf32, #tpu.memory_space<vmem_shared>> -> memref<128x128xf32, #tpu.memory_space<vmem_shared>>
        tpu.enqueue_dma source(%arg8 : memref<128x128xf32, #tpu.memory_space<vmem>>) target(%dma_start3A_45 : memref<128x128xf32, #tpu.memory_space<vmem_shared>>) target_semaphore(%run_scoped3A : memref<!tpu.dma_semaphore, #tpu.memory_space<semaphore_mem>>)
        %dma_wait3A = arith.constant 0 : i32
        %dma_wait3A_46 = tpu.memref_slice %arg10[%add3A_18, %dma_wait3A] : memref<10496x128xf32, #tpu.memory_space<vmem_shared>> -> memref<128x128xf32, #tpu.memory_space<vmem_shared>>
        %dma_wait3A_47 = arith.constant 0 : i32
        %dma_wait3A_48 = tpu.memref_slice %arg10[%add3A_18, %dma_wait3A_47] : memref<10496x128xf32, #tpu.memory_space<vmem_shared>> -> memref<128x128xf32, #tpu.memory_space<vmem_shared>>
        tpu.wait_dma2 semaphore(%run_scoped3A : memref<!tpu.dma_semaphore, #tpu.memory_space<semaphore_mem>>) src(%arg8 : memref<128x128xf32, #tpu.memory_space<vmem>>) dst(%dma_wait3A_48 : memref<128x128xf32, #tpu.memory_space<vmem_shared>>)
        tpu.yield
      }) : () -> ()
      %mul3A_19 = arith.constant 656 : i32
      %mul3A_20 = arith.muli %arg1, %mul3A_19 : i32
      %add3A_21 = arith.constant 384 : i32
      %add3A_22 = arith.addi %mul3A_20, %add3A_21 : i32
      "tpu.region"() ({
        %run_scoped3A = tpu.sem_alloc : memref<!tpu.dma_semaphore, #tpu.memory_space<semaphore_mem>>
        %dma_start3A = arith.constant 0 : i32
        %dma_start3A_43 = tpu.memref_slice %arg10[%add3A_22, %dma_start3A] : memref<10496x128xf32, #tpu.memory_space<vmem_shared>> -> memref<128x128xf32, #tpu.memory_space<vmem_shared>>
        %dma_start3A_44 = arith.constant 0 : i32
        %dma_start3A_45 = tpu.memref_slice %arg10[%add3A_22, %dma_start3A_44] : memref<10496x128xf32, #tpu.memory_space<vmem_shared>> -> memref<128x128xf32, #tpu.memory_space<vmem_shared>>
        tpu.enqueue_dma source(%arg8 : memref<128x128xf32, #tpu.memory_space<vmem>>) target(%dma_start3A_45 : memref<128x128xf32, #tpu.memory_space<vmem_shared>>) target_semaphore(%run_scoped3A : memref<!tpu.dma_semaphore, #tpu.memory_space<semaphore_mem>>)
        %dma_wait3A = arith.constant 0 : i32
        %dma_wait3A_46 = tpu.memref_slice %arg10[%add3A_22, %dma_wait3A] : memref<10496x128xf32, #tpu.memory_space<vmem_shared>> -> memref<128x128xf32, #tpu.memory_space<vmem_shared>>
        %dma_wait3A_47 = arith.constant 0 : i32
        %dma_wait3A_48 = tpu.memref_slice %arg10[%add3A_22, %dma_wait3A_47] : memref<10496x128xf32, #tpu.memory_space<vmem_shared>> -> memref<128x128xf32, #tpu.memory_space<vmem_shared>>
        tpu.wait_dma2 semaphore(%run_scoped3A : memref<!tpu.dma_semaphore, #tpu.memory_space<semaphore_mem>>) src(%arg8 : memref<128x128xf32, #tpu.memory_space<vmem>>) dst(%dma_wait3A_48 : memref<128x128xf32, #tpu.memory_space<vmem_shared>>)
        tpu.yield
      }) : () -> ()
      %mul3A_23 = arith.constant 656 : i32
      %mul3A_24 = arith.muli %arg1, %mul3A_23 : i32
      %add3A_25 = arith.constant 512 : i32
      %add3A_26 = arith.addi %mul3A_24, %add3A_25 : i32
      "tpu.region"() ({
        %run_scoped3A = tpu.sem_alloc : memref<!tpu.dma_semaphore, #tpu.memory_space<semaphore_mem>>
        %dma_start3A = arith.constant 0 : i32
        %dma_start3A_43 = tpu.memref_slice %arg10[%add3A_26, %dma_start3A] : memref<10496x128xf32, #tpu.memory_space<vmem_shared>> -> memref<128x128xf32, #tpu.memory_space<vmem_shared>>
        %dma_start3A_44 = arith.constant 0 : i32
        %dma_start3A_45 = tpu.memref_slice %arg10[%add3A_26, %dma_start3A_44] : memref<10496x128xf32, #tpu.memory_space<vmem_shared>> -> memref<128x128xf32, #tpu.memory_space<vmem_shared>>
        tpu.enqueue_dma source(%arg8 : memref<128x128xf32, #tpu.memory_space<vmem>>) target(%dma_start3A_45 : memref<128x128xf32, #tpu.memory_space<vmem_shared>>) target_semaphore(%run_scoped3A : memref<!tpu.dma_semaphore, #tpu.memory_space<semaphore_mem>>)
        %dma_wait3A = arith.constant 0 : i32
        %dma_wait3A_46 = tpu.memref_slice %arg10[%add3A_26, %dma_wait3A] : memref<10496x128xf32, #tpu.memory_space<vmem_shared>> -> memref<128x128xf32, #tpu.memory_space<vmem_shared>>
        %dma_wait3A_47 = arith.constant 0 : i32
        %dma_wait3A_48 = tpu.memref_slice %arg10[%add3A_26, %dma_wait3A_47] : memref<10496x128xf32, #tpu.memory_space<vmem_shared>> -> memref<128x128xf32, #tpu.memory_space<vmem_shared>>
        tpu.wait_dma2 semaphore(%run_scoped3A : memref<!tpu.dma_semaphore, #tpu.memory_space<semaphore_mem>>) src(%arg8 : memref<128x128xf32, #tpu.memory_space<vmem>>) dst(%dma_wait3A_48 : memref<128x128xf32, #tpu.memory_space<vmem_shared>>)
        tpu.yield
      }) : () -> ()
      %mul3A_27 = arith.constant 656 : i32
      %mul3A_28 = arith.muli %arg1, %mul3A_27 : i32
      %add3A_29 = arith.constant 640 : i32
      %add3A_30 = arith.addi %mul3A_28, %add3A_29 : i32
      "tpu.region"() ({
        %run_scoped3A = tpu.sem_alloc : memref<!tpu.dma_semaphore, #tpu.memory_space<semaphore_mem>>
        %dma_start3A = arith.constant 0 : i32
        %dma_start3A_43 = arith.constant 0 : i32
        %dma_start3A_44 = tpu.memref_slice %arg8[%dma_start3A, %dma_start3A_43] : memref<128x128xf32, #tpu.memory_space<vmem>> -> memref<16x128xf32, #tpu.memory_space<vmem>>
        %dma_start3A_45 = arith.constant 0 : i32
        %dma_start3A_46 = tpu.memref_slice %arg10[%add3A_30, %dma_start3A_45] : memref<10496x128xf32, #tpu.memory_space<vmem_shared>> -> memref<16x128xf32, #tpu.memory_space<vmem_shared>>
        %dma_start3A_47 = arith.constant 0 : i32
        %dma_start3A_48 = tpu.memref_slice %arg10[%add3A_30, %dma_start3A_47] : memref<10496x128xf32, #tpu.memory_space<vmem_shared>> -> memref<16x128xf32, #tpu.memory_space<vmem_shared>>
        %dma_start3A_49 = arith.constant 0 : i32
        %dma_start3A_50 = arith.constant 0 : i32
        %dma_start3A_51 = tpu.memref_slice %arg8[%dma_start3A_49, %dma_start3A_50] : memref<128x128xf32, #tpu.memory_space<vmem>> -> memref<16x128xf32, #tpu.memory_space<vmem>>
        tpu.enqueue_dma source(%dma_start3A_51 : memref<16x128xf32, #tpu.memory_space<vmem>>) target(%dma_start3A_48 : memref<16x128xf32, #tpu.memory_space<vmem_shared>>) target_semaphore(%run_scoped3A : memref<!tpu.dma_semaphore, #tpu.memory_space<semaphore_mem>>)
        %dma_wait3A = arith.constant 0 : i32
        %dma_wait3A_52 = arith.constant 0 : i32
        %dma_wait3A_53 = tpu.memref_slice %arg8[%dma_wait3A, %dma_wait3A_52] : memref<128x128xf32, #tpu.memory_space<vmem>> -> memref<16x128xf32, #tpu.memory_space<vmem>>
        %dma_wait3A_54 = arith.constant 0 : i32
        %dma_wait3A_55 = tpu.memref_slice %arg10[%add3A_30, %dma_wait3A_54] : memref<10496x128xf32, #tpu.memory_space<vmem_shared>> -> memref<16x128xf32, #tpu.memory_space<vmem_shared>>
        %dma_wait3A_56 = arith.constant 0 : i32
        %dma_wait3A_57 = tpu.memref_slice %arg10[%add3A_30, %dma_wait3A_56] : memref<10496x128xf32, #tpu.memory_space<vmem_shared>> -> memref<16x128xf32, #tpu.memory_space<vmem_shared>>
        %dma_wait3A_58 = arith.constant 0 : i32
        %dma_wait3A_59 = arith.constant 0 : i32
        %dma_wait3A_60 = tpu.memref_slice %arg8[%dma_wait3A_58, %dma_wait3A_59] : memref<128x128xf32, #tpu.memory_space<vmem>> -> memref<16x128xf32, #tpu.memory_space<vmem>>
        tpu.wait_dma2 semaphore(%run_scoped3A : memref<!tpu.dma_semaphore, #tpu.memory_space<semaphore_mem>>) src(%dma_wait3A_60 : memref<16x128xf32, #tpu.memory_space<vmem>>) dst(%dma_wait3A_57 : memref<16x128xf32, #tpu.memory_space<vmem_shared>>)
        tpu.yield
      }) : () -> ()
      %barrier3A = arith.constant 0 : index
      tpu.barrier barrier_id(%barrier3A)
      %scan3A_31 = arith.constant 0 : i32
      %scan3A_32 = arith.constant 0 : i32
      %scan3A_33 = arith.constant 2 : i32
      %scan3A_34 = arith.addi %scan3A_32, %scan3A_33 : i32
      %scan3A_35 = arith.constant 1 : i32
      %scan3A_36 = scf.for %scan3A_43 = %scan3A_32 to %scan3A_34 step %scan3A_35 iter_args(%scan3A_44 = %scan3A_31) -> (i32)  : i32 {
        %mul3A_45 = arith.constant 2 : i32
        %mul3A_46 = arith.muli %arg1, %mul3A_45 : i32
        %add3A_47 = arith.addi %mul3A_46, %scan3A_43 : i32
        %mul3A_48 = arith.constant 40 : i32
        %mul3A_49 = arith.muli %add3A_47, %mul3A_48 : i32
        %add3A_50 = arith.constant 0 : i32
        %add3A_51 = arith.addi %add3A_50, %mul3A_49 : i32
        "tpu.region"() ({
          %run_scoped3A_87 = tpu.sem_alloc : memref<!tpu.dma_semaphore, #tpu.memory_space<semaphore_mem>>
          %dma_start3A_88 = arith.constant 0 : i32
          %dma_start3A_89 = tpu.memref_slice %arg3[%add3A_51, %dma_start3A_88] : memref<2560x128xi32, #tpu.memory_space<hbm>> -> memref<40x128xi32, #tpu.memory_space<hbm>>
          %dma_start3A_90 = arith.constant 0 : i32
          %dma_start3A_91 = tpu.memref_slice %arg3[%add3A_51, %dma_start3A_90] : memref<2560x128xi32, #tpu.memory_space<hbm>> -> memref<40x128xi32, #tpu.memory_space<hbm>>
          tpu.enqueue_dma source(%dma_start3A_91 : memref<40x128xi32, #tpu.memory_space<hbm>>) target(%arg6 : memref<40x128xi32, #tpu.memory_space<vmem>>) target_semaphore(%run_scoped3A_87 : memref<!tpu.dma_semaphore, #tpu.memory_space<semaphore_mem>>)
          %dma_wait3A_92 = arith.constant 0 : i32
          %dma_wait3A_93 = tpu.memref_slice %arg3[%add3A_51, %dma_wait3A_92] : memref<2560x128xi32, #tpu.memory_space<hbm>> -> memref<40x128xi32, #tpu.memory_space<hbm>>
          %dma_wait3A_94 = arith.constant 0 : i32
          %dma_wait3A_95 = tpu.memref_slice %arg3[%add3A_51, %dma_wait3A_94] : memref<2560x128xi32, #tpu.memory_space<hbm>> -> memref<40x128xi32, #tpu.memory_space<hbm>>
          tpu.wait_dma2 semaphore(%run_scoped3A_87 : memref<!tpu.dma_semaphore, #tpu.memory_space<semaphore_mem>>) src(%dma_wait3A_95 : memref<40x128xi32, #tpu.memory_space<hbm>>) dst(%arg6 : memref<40x128xi32, #tpu.memory_space<vmem>>)
          tpu.yield
        }) : () -> ()
        "tpu.region"() ({
          %run_scoped3A_87 = tpu.sem_alloc : memref<!tpu.dma_semaphore, #tpu.memory_space<semaphore_mem>>
          %dma_start3A_88 = arith.constant 0 : i32
          %dma_start3A_89 = tpu.memref_slice %arg4[%add3A_51, %dma_start3A_88] : memref<2560x128xi32, #tpu.memory_space<hbm>> -> memref<40x128xi32, #tpu.memory_space<hbm>>
          %dma_start3A_90 = arith.constant 0 : i32
          %dma_start3A_91 = tpu.memref_slice %arg4[%add3A_51, %dma_start3A_90] : memref<2560x128xi32, #tpu.memory_space<hbm>> -> memref<40x128xi32, #tpu.memory_space<hbm>>
          tpu.enqueue_dma source(%dma_start3A_91 : memref<40x128xi32, #tpu.memory_space<hbm>>) target(%arg7 : memref<40x128xi32, #tpu.memory_space<vmem>>) target_semaphore(%run_scoped3A_87 : memref<!tpu.dma_semaphore, #tpu.memory_space<semaphore_mem>>)
          %dma_wait3A_92 = arith.constant 0 : i32
          %dma_wait3A_93 = tpu.memref_slice %arg4[%add3A_51, %dma_wait3A_92] : memref<2560x128xi32, #tpu.memory_space<hbm>> -> memref<40x128xi32, #tpu.memory_space<hbm>>
          %dma_wait3A_94 = arith.constant 0 : i32
          %dma_wait3A_95 = tpu.memref_slice %arg4[%add3A_51, %dma_wait3A_94] : memref<2560x128xi32, #tpu.memory_space<hbm>> -> memref<40x128xi32, #tpu.memory_space<hbm>>
          tpu.wait_dma2 semaphore(%run_scoped3A_87 : memref<!tpu.dma_semaphore, #tpu.memory_space<semaphore_mem>>) src(%dma_wait3A_95 : memref<40x128xi32, #tpu.memory_space<hbm>>) dst(%arg7 : memref<40x128xi32, #tpu.memory_space<vmem>>)
          tpu.yield
        }) : () -> ()
        %dma_start3A = arith.constant 0 : i32
        %dma_start3A_52 = arith.constant 0 : i32
        %dma_start3A_53 = tpu.memref_slice %arg6[%dma_start3A, %dma_start3A_52] : memref<40x128xi32, #tpu.memory_space<vmem>> -> memref<1x128xi32, #tpu.memory_space<vmem>>
        %dma_start3A_54 = tpu.memref_squeeze %dma_start3A_53 : memref<1x128xi32, #tpu.memory_space<vmem>> -> memref<128xi32, #tpu.memory_space<vmem>>
        %dma_start3A_55 = arith.constant 0 : i32
        %dma_start3A_56 = arith.constant 0 : i32
        %dma_start3A_57 = tpu.memref_slice %arg2[%dma_start3A_55, %dma_start3A_56] : memref<10000x128xf32, #tpu.memory_space<hbm>> -> memref<10000x128xf32, #tpu.memory_space<hbm>>
        tpu.enqueue_indirect_dma source(%dma_start3A_57 : memref<10000x128xf32, #tpu.memory_space<hbm>>) target(%arg8 : memref<128x128xf32, #tpu.memory_space<vmem>>) offsets(%dma_start3A_54 : memref<128xi32, #tpu.memory_space<vmem>>) semaphore(%arg11 : memref<!tpu.dma_semaphore, #tpu.memory_space<semaphore_mem>>)
        %dma_start3A_58 = arith.constant 1 : i32
        %dma_start3A_59 = arith.constant 0 : i32
        %dma_start3A_60 = tpu.memref_slice %arg6[%dma_start3A_58, %dma_start3A_59] : memref<40x128xi32, #tpu.memory_space<vmem>> -> memref<1x128xi32, #tpu.memory_space<vmem>>
        %dma_start3A_61 = tpu.memref_squeeze %dma_start3A_60 : memref<1x128xi32, #tpu.memory_space<vmem>> -> memref<128xi32, #tpu.memory_space<vmem>>
        %dma_start3A_62 = arith.constant 0 : i32
        %dma_start3A_63 = arith.constant 0 : i32
        %dma_start3A_64 = tpu.memref_slice %arg2[%dma_start3A_62, %dma_start3A_63] : memref<10000x128xf32, #tpu.memory_space<hbm>> -> memref<10000x128xf32, #tpu.memory_space<hbm>>
        tpu.enqueue_indirect_dma source(%dma_start3A_64 : memref<10000x128xf32, #tpu.memory_space<hbm>>) target(%arg9 : memref<128x128xf32, #tpu.memory_space<vmem>>) offsets(%dma_start3A_61 : memref<128xi32, #tpu.memory_space<vmem>>) semaphore(%arg12 : memref<!tpu.dma_semaphore, #tpu.memory_space<semaphore_mem>>)
        %scan3A_65 = arith.constant 0 : i32
        %scan3A_66 = arith.constant 0 : i32
        %scan3A_67 = arith.constant 19 : i32
        %scan3A_68 = arith.addi %scan3A_66, %scan3A_67 : i32
        %scan3A_69 = arith.constant 1 : i32
        %scan3A_70 = scf.for %scan3A_87 = %scan3A_66 to %scan3A_68 step %scan3A_69 iter_args(%scan3A_88 = %scan3A_65) -> (i32)  : i32 {
          %mul3A_89 = arith.constant 2 : i32
          %mul3A_90 = arith.muli %mul3A_89, %scan3A_87 : i32
          %dma_wait3A_91 = arith.constant 0 : i32
          %dma_wait3A_92 = tpu.memref_slice %arg6[%mul3A_90, %dma_wait3A_91] : memref<40x128xi32, #tpu.memory_space<vmem>> -> memref<1x128xi32, #tpu.memory_space<vmem>>
          %dma_wait3A_93 = tpu.memref_squeeze %dma_wait3A_92 : memref<1x128xi32, #tpu.memory_space<vmem>> -> memref<128xi32, #tpu.memory_space<vmem>>
          %dma_wait3A_94 = arith.constant 0 : i32
          %dma_wait3A_95 = arith.constant 0 : i32
          %dma_wait3A_96 = tpu.memref_slice %arg2[%dma_wait3A_94, %dma_wait3A_95] : memref<10000x128xf32, #tpu.memory_space<hbm>> -> memref<10000x128xf32, #tpu.memory_space<hbm>>
          tpu.wait_indirect_dma semaphore(%arg11 : memref<!tpu.dma_semaphore, #tpu.memory_space<semaphore_mem>>) src(%dma_wait3A_96 : memref<10000x128xf32, #tpu.memory_space<hbm>>) dst(%arg8 : memref<128x128xf32, #tpu.memory_space<vmem>>)
          "tpu.region"() ({
            %run_scoped3A_124 = tpu.sem_alloc : memref<!tpu.dma_semaphore, #tpu.memory_space<semaphore_mem>>
            %dma_start3A_125 = arith.constant 0 : i32
            %dma_start3A_126 = tpu.memref_slice %arg7[%mul3A_90, %dma_start3A_125] : memref<40x128xi32, #tpu.memory_space<vmem>> -> memref<1x128xi32, #tpu.memory_space<vmem>>
            %dma_start3A_127 = tpu.memref_squeeze %dma_start3A_126 : memref<1x128xi32, #tpu.memory_space<vmem>> -> memref<128xi32, #tpu.memory_space<vmem>>
            %dma_start3A_128 = arith.constant 0 : i32
            %dma_start3A_129 = arith.constant 0 : i32
            %dma_start3A_130 = tpu.memref_slice %arg10[%dma_start3A_128, %dma_start3A_129] : memref<10496x128xf32, #tpu.memory_space<vmem_shared>> -> memref<10496x128xf32, #tpu.memory_space<vmem_shared>>
            tpu.enqueue_indirect_dma source(%arg8 : memref<128x128xf32, #tpu.memory_space<vmem>>) target(%dma_start3A_130 : memref<10496x128xf32, #tpu.memory_space<vmem_shared>>) offsets(%dma_start3A_127 : memref<128xi32, #tpu.memory_space<vmem>>) semaphore(%run_scoped3A_124 : memref<!tpu.dma_semaphore, #tpu.memory_space<semaphore_mem>>) {add = true}
            %dma_wait3A_131 = arith.constant 0 : i32
            %dma_wait3A_132 = tpu.memref_slice %arg7[%mul3A_90, %dma_wait3A_131] : memref<40x128xi32, #tpu.memory_space<vmem>> -> memref<1x128xi32, #tpu.memory_space<vmem>>
            %dma_wait3A_133 = tpu.memref_squeeze %dma_wait3A_132 : memref<1x128xi32, #tpu.memory_space<vmem>> -> memref<128xi32, #tpu.memory_space<vmem>>
            %dma_wait3A_134 = arith.constant 0 : i32
            %dma_wait3A_135 = arith.constant 0 : i32
            %dma_wait3A_136 = tpu.memref_slice %arg10[%dma_wait3A_134, %dma_wait3A_135] : memref<10496x128xf32, #tpu.memory_space<vmem_shared>> -> memref<10496x128xf32, #tpu.memory_space<vmem_shared>>
            tpu.wait_indirect_dma semaphore(%run_scoped3A_124 : memref<!tpu.dma_semaphore, #tpu.memory_space<semaphore_mem>>) src(%arg8 : memref<128x128xf32, #tpu.memory_space<vmem>>) dst(%dma_wait3A_136 : memref<10496x128xf32, #tpu.memory_space<vmem_shared>>)
            tpu.yield
          }) : () -> ()
          %add3A_97 = arith.constant 2 : i32
          %add3A_98 = arith.addi %mul3A_90, %add3A_97 : i32
          %dma_start3A_99 = arith.constant 0 : i32
          %dma_start3A_100 = tpu.memref_slice %arg6[%add3A_98, %dma_start3A_99] : memref<40x128xi32, #tpu.memory_space<vmem>> -> memref<1x128xi32, #tpu.memory_space<vmem>>
          %dma_start3A_101 = tpu.memref_squeeze %dma_start3A_100 : memref<1x128xi32, #tpu.memory_space<vmem>> -> memref<128xi32, #tpu.memory_space<vmem>>
          %dma_start3A_102 = arith.constant 0 : i32
          %dma_start3A_103 = arith.constant 0 : i32
          %dma_start3A_104 = tpu.memref_slice %arg2[%dma_start3A_102, %dma_start3A_103] : memref<10000x128xf32, #tpu.memory_space<hbm>> -> memref<10000x128xf32, #tpu.memory_space<hbm>>
          tpu.enqueue_indirect_dma source(%dma_start3A_104 : memref<10000x128xf32, #tpu.memory_space<hbm>>) target(%arg8 : memref<128x128xf32, #tpu.memory_space<vmem>>) offsets(%dma_start3A_101 : memref<128xi32, #tpu.memory_space<vmem>>) semaphore(%arg11 : memref<!tpu.dma_semaphore, #tpu.memory_space<semaphore_mem>>)
          %add3A_105 = arith.constant 1 : i32
          %add3A_106 = arith.addi %mul3A_90, %add3A_105 : i32
          %dma_wait3A_107 = arith.constant 0 : i32
          %dma_wait3A_108 = tpu.memref_slice %arg6[%add3A_106, %dma_wait3A_107] : memref<40x128xi32, #tpu.memory_space<vmem>> -> memref<1x128xi32, #tpu.memory_space<vmem>>
          %dma_wait3A_109 = tpu.memref_squeeze %dma_wait3A_108 : memref<1x128xi32, #tpu.memory_space<vmem>> -> memref<128xi32, #tpu.memory_space<vmem>>
          %dma_wait3A_110 = arith.constant 0 : i32
          %dma_wait3A_111 = arith.constant 0 : i32
          %dma_wait3A_112 = tpu.memref_slice %arg2[%dma_wait3A_110, %dma_wait3A_111] : memref<10000x128xf32, #tpu.memory_space<hbm>> -> memref<10000x128xf32, #tpu.memory_space<hbm>>
          tpu.wait_indirect_dma semaphore(%arg12 : memref<!tpu.dma_semaphore, #tpu.memory_space<semaphore_mem>>) src(%dma_wait3A_112 : memref<10000x128xf32, #tpu.memory_space<hbm>>) dst(%arg9 : memref<128x128xf32, #tpu.memory_space<vmem>>)
          %add3A_113 = arith.constant 1 : i32
          %add3A_114 = arith.addi %mul3A_90, %add3A_113 : i32
          "tpu.region"() ({
            %run_scoped3A_124 = tpu.sem_alloc : memref<!tpu.dma_semaphore, #tpu.memory_space<semaphore_mem>>
            %dma_start3A_125 = arith.constant 0 : i32
            %dma_start3A_126 = tpu.memref_slice %arg7[%add3A_114, %dma_start3A_125] : memref<40x128xi32, #tpu.memory_space<vmem>> -> memref<1x128xi32, #tpu.memory_space<vmem>>
            %dma_start3A_127 = tpu.memref_squeeze %dma_start3A_126 : memref<1x128xi32, #tpu.memory_space<vmem>> -> memref<128xi32, #tpu.memory_space<vmem>>
            %dma_start3A_128 = arith.constant 0 : i32
            %dma_start3A_129 = arith.constant 0 : i32
            %dma_start3A_130 = tpu.memref_slice %arg10[%dma_start3A_128, %dma_start3A_129] : memref<10496x128xf32, #tpu.memory_space<vmem_shared>> -> memref<10496x128xf32, #tpu.memory_space<vmem_shared>>
            tpu.enqueue_indirect_dma source(%arg9 : memref<128x128xf32, #tpu.memory_space<vmem>>) target(%dma_start3A_130 : memref<10496x128xf32, #tpu.memory_space<vmem_shared>>) offsets(%dma_start3A_127 : memref<128xi32, #tpu.memory_space<vmem>>) semaphore(%run_scoped3A_124 : memref<!tpu.dma_semaphore, #tpu.memory_space<semaphore_mem>>) {add = true}
            %dma_wait3A_131 = arith.constant 0 : i32
            %dma_wait3A_132 = tpu.memref_slice %arg7[%add3A_114, %dma_wait3A_131] : memref<40x128xi32, #tpu.memory_space<vmem>> -> memref<1x128xi32, #tpu.memory_space<vmem>>
            %dma_wait3A_133 = tpu.memref_squeeze %dma_wait3A_132 : memref<1x128xi32, #tpu.memory_space<vmem>> -> memref<128xi32, #tpu.memory_space<vmem>>
            %dma_wait3A_134 = arith.constant 0 : i32
            %dma_wait3A_135 = arith.constant 0 : i32
            %dma_wait3A_136 = tpu.memref_slice %arg10[%dma_wait3A_134, %dma_wait3A_135] : memref<10496x128xf32, #tpu.memory_space<vmem_shared>> -> memref<10496x128xf32, #tpu.memory_space<vmem_shared>>
            tpu.wait_indirect_dma semaphore(%run_scoped3A_124 : memref<!tpu.dma_semaphore, #tpu.memory_space<semaphore_mem>>) src(%arg9 : memref<128x128xf32, #tpu.memory_space<vmem>>) dst(%dma_wait3A_136 : memref<10496x128xf32, #tpu.memory_space<vmem_shared>>)
            tpu.yield
          }) : () -> ()
          %add3A_115 = arith.constant 3 : i32
          %add3A_116 = arith.addi %mul3A_90, %add3A_115 : i32
          %dma_start3A_117 = arith.constant 0 : i32
          %dma_start3A_118 = tpu.memref_slice %arg6[%add3A_116, %dma_start3A_117] : memref<40x128xi32, #tpu.memory_space<vmem>> -> memref<1x128xi32, #tpu.memory_space<vmem>>
          %dma_start3A_119 = tpu.memref_squeeze %dma_start3A_118 : memref<1x128xi32, #tpu.memory_space<vmem>> -> memref<128xi32, #tpu.memory_space<vmem>>
          %dma_start3A_120 = arith.constant 0 : i32
          %dma_start3A_121 = arith.constant 0 : i32
          %dma_start3A_122 = tpu.memref_slice %arg2[%dma_start3A_120, %dma_start3A_121] : memref<10000x128xf32, #tpu.memory_space<hbm>> -> memref<10000x128xf32, #tpu.memory_space<hbm>>
          tpu.enqueue_indirect_dma source(%dma_start3A_122 : memref<10000x128xf32, #tpu.memory_space<hbm>>) target(%arg9 : memref<128x128xf32, #tpu.memory_space<vmem>>) offsets(%dma_start3A_119 : memref<128xi32, #tpu.memory_space<vmem>>) semaphore(%arg12 : memref<!tpu.dma_semaphore, #tpu.memory_space<semaphore_mem>>)
          %scan3A_123 = arith.constant 0 : i32
          scf.yield %scan3A_123 : i32
        }
        %scan3A_71 = arith.constant 19 : i32
        %dma_wait3A = arith.constant 38 : i32
        %dma_wait3A_72 = arith.constant 0 : i32
        %dma_wait3A_73 = tpu.memref_slice %arg6[%dma_wait3A, %dma_wait3A_72] : memref<40x128xi32, #tpu.memory_space<vmem>> -> memref<1x128xi32, #tpu.memory_space<vmem>>
        %dma_wait3A_74 = tpu.memref_squeeze %dma_wait3A_73 : memref<1x128xi32, #tpu.memory_space<vmem>> -> memref<128xi32, #tpu.memory_space<vmem>>
        %dma_wait3A_75 = arith.constant 0 : i32
        %dma_wait3A_76 = arith.constant 0 : i32
        %dma_wait3A_77 = tpu.memref_slice %arg2[%dma_wait3A_75, %dma_wait3A_76] : memref<10000x128xf32, #tpu.memory_space<hbm>> -> memref<10000x128xf32, #tpu.memory_space<hbm>>
        tpu.wait_indirect_dma semaphore(%arg11 : memref<!tpu.dma_semaphore, #tpu.memory_space<semaphore_mem>>) src(%dma_wait3A_77 : memref<10000x128xf32, #tpu.memory_space<hbm>>) dst(%arg8 : memref<128x128xf32, #tpu.memory_space<vmem>>)
        %run_scoped3A = arith.constant 38 : i32
        "tpu.region"() ({
          %run_scoped3A_87 = tpu.sem_alloc : memref<!tpu.dma_semaphore, #tpu.memory_space<semaphore_mem>>
          %dma_start3A_88 = arith.constant 0 : i32
          %dma_start3A_89 = tpu.memref_slice %arg7[%run_scoped3A, %dma_start3A_88] : memref<40x128xi32, #tpu.memory_space<vmem>> -> memref<1x128xi32, #tpu.memory_space<vmem>>
          %dma_start3A_90 = tpu.memref_squeeze %dma_start3A_89 : memref<1x128xi32, #tpu.memory_space<vmem>> -> memref<128xi32, #tpu.memory_space<vmem>>
          %dma_start3A_91 = arith.constant 0 : i32
          %dma_start3A_92 = arith.constant 0 : i32
          %dma_start3A_93 = tpu.memref_slice %arg10[%dma_start3A_91, %dma_start3A_92] : memref<10496x128xf32, #tpu.memory_space<vmem_shared>> -> memref<10496x128xf32, #tpu.memory_space<vmem_shared>>
          tpu.enqueue_indirect_dma source(%arg8 : memref<128x128xf32, #tpu.memory_space<vmem>>) target(%dma_start3A_93 : memref<10496x128xf32, #tpu.memory_space<vmem_shared>>) offsets(%dma_start3A_90 : memref<128xi32, #tpu.memory_space<vmem>>) semaphore(%run_scoped3A_87 : memref<!tpu.dma_semaphore, #tpu.memory_space<semaphore_mem>>) {add = true}
          %dma_wait3A_94 = arith.constant 0 : i32
          %dma_wait3A_95 = tpu.memref_slice %arg7[%run_scoped3A, %dma_wait3A_94] : memref<40x128xi32, #tpu.memory_space<vmem>> -> memref<1x128xi32, #tpu.memory_space<vmem>>
          %dma_wait3A_96 = tpu.memref_squeeze %dma_wait3A_95 : memref<1x128xi32, #tpu.memory_space<vmem>> -> memref<128xi32, #tpu.memory_space<vmem>>
          %dma_wait3A_97 = arith.constant 0 : i32
          %dma_wait3A_98 = arith.constant 0 : i32
          %dma_wait3A_99 = tpu.memref_slice %arg10[%dma_wait3A_97, %dma_wait3A_98] : memref<10496x128xf32, #tpu.memory_space<vmem_shared>> -> memref<10496x128xf32, #tpu.memory_space<vmem_shared>>
          tpu.wait_indirect_dma semaphore(%run_scoped3A_87 : memref<!tpu.dma_semaphore, #tpu.memory_space<semaphore_mem>>) src(%arg8 : memref<128x128xf32, #tpu.memory_space<vmem>>) dst(%dma_wait3A_99 : memref<10496x128xf32, #tpu.memory_space<vmem_shared>>)
          tpu.yield
        }) : () -> ()
        %dma_wait3A_78 = arith.constant 39 : i32
        %dma_wait3A_79 = arith.constant 0 : i32
        %dma_wait3A_80 = tpu.memref_slice %arg6[%dma_wait3A_78, %dma_wait3A_79] : memref<40x128xi32, #tpu.memory_space<vmem>> -> memref<1x128xi32, #tpu.memory_space<vmem>>
        %dma_wait3A_81 = tpu.memref_squeeze %dma_wait3A_80 : memref<1x128xi32, #tpu.memory_space<vmem>> -> memref<128xi32, #tpu.memory_space<vmem>>
        %dma_wait3A_82 = arith.constant 0 : i32
        %dma_wait3A_83 = arith.constant 0 : i32
        %dma_wait3A_84 = tpu.memref_slice %arg2[%dma_wait3A_82, %dma_wait3A_83] : memref<10000x128xf32, #tpu.memory_space<hbm>> -> memref<10000x128xf32, #tpu.memory_space<hbm>>
        tpu.wait_indirect_dma semaphore(%arg12 : memref<!tpu.dma_semaphore, #tpu.memory_space<semaphore_mem>>) src(%dma_wait3A_84 : memref<10000x128xf32, #tpu.memory_space<hbm>>) dst(%arg9 : memref<128x128xf32, #tpu.memory_space<vmem>>)
        %run_scoped3A_85 = arith.constant 39 : i32
        "tpu.region"() ({
          %run_scoped3A_87 = tpu.sem_alloc : memref<!tpu.dma_semaphore, #tpu.memory_space<semaphore_mem>>
          %dma_start3A_88 = arith.constant 0 : i32
          %dma_start3A_89 = tpu.memref_slice %arg7[%run_scoped3A_85, %dma_start3A_88] : memref<40x128xi32, #tpu.memory_space<vmem>> -> memref<1x128xi32, #tpu.memory_space<vmem>>
          %dma_start3A_90 = tpu.memref_squeeze %dma_start3A_89 : memref<1x128xi32, #tpu.memory_space<vmem>> -> memref<128xi32, #tpu.memory_space<vmem>>
          %dma_start3A_91 = arith.constant 0 : i32
          %dma_start3A_92 = arith.constant 0 : i32
          %dma_start3A_93 = tpu.memref_slice %arg10[%dma_start3A_91, %dma_start3A_92] : memref<10496x128xf32, #tpu.memory_space<vmem_shared>> -> memref<10496x128xf32, #tpu.memory_space<vmem_shared>>
          tpu.enqueue_indirect_dma source(%arg9 : memref<128x128xf32, #tpu.memory_space<vmem>>) target(%dma_start3A_93 : memref<10496x128xf32, #tpu.memory_space<vmem_shared>>) offsets(%dma_start3A_90 : memref<128xi32, #tpu.memory_space<vmem>>) semaphore(%run_scoped3A_87 : memref<!tpu.dma_semaphore, #tpu.memory_space<semaphore_mem>>) {add = true}
          %dma_wait3A_94 = arith.constant 0 : i32
          %dma_wait3A_95 = tpu.memref_slice %arg7[%run_scoped3A_85, %dma_wait3A_94] : memref<40x128xi32, #tpu.memory_space<vmem>> -> memref<1x128xi32, #tpu.memory_space<vmem>>
          %dma_wait3A_96 = tpu.memref_squeeze %dma_wait3A_95 : memref<1x128xi32, #tpu.memory_space<vmem>> -> memref<128xi32, #tpu.memory_space<vmem>>
          %dma_wait3A_97 = arith.constant 0 : i32
          %dma_wait3A_98 = arith.constant 0 : i32
          %dma_wait3A_99 = tpu.memref_slice %arg10[%dma_wait3A_97, %dma_wait3A_98] : memref<10496x128xf32, #tpu.memory_space<vmem_shared>> -> memref<10496x128xf32, #tpu.memory_space<vmem_shared>>
          tpu.wait_indirect_dma semaphore(%run_scoped3A_87 : memref<!tpu.dma_semaphore, #tpu.memory_space<semaphore_mem>>) src(%arg9 : memref<128x128xf32, #tpu.memory_space<vmem>>) dst(%dma_wait3A_99 : memref<10496x128xf32, #tpu.memory_space<vmem_shared>>)
          tpu.yield
        }) : () -> ()
        %scan3A_86 = arith.constant 0 : i32
        scf.yield %scan3A_86 : i32
      }
      %scan3A_37 = arith.constant 2 : i32
      %barrier3A_38 = arith.constant 0 : index
      tpu.barrier barrier_id(%barrier3A_38)
      %mul3A_39 = arith.constant 656 : i32
      %mul3A_40 = arith.muli %arg1, %mul3A_39 : i32
      %mul3A_41 = arith.constant 656 : i32
      %mul3A_42 = arith.muli %arg1, %mul3A_41 : i32
      "tpu.region"() ({
        %run_scoped3A = tpu.sem_alloc : memref<!tpu.dma_semaphore, #tpu.memory_space<semaphore_mem>>
        %dma_start3A = arith.constant 0 : i32
        %dma_start3A_43 = tpu.memref_slice %arg5[%mul3A_42, %dma_start3A] : memref<10496x128xf32, #tpu.memory_space<hbm>> -> memref<656x128xf32, #tpu.memory_space<hbm>>
        %dma_start3A_44 = arith.constant 0 : i32
        %dma_start3A_45 = tpu.memref_slice %arg10[%mul3A_40, %dma_start3A_44] : memref<10496x128xf32, #tpu.memory_space<vmem_shared>> -> memref<656x128xf32, #tpu.memory_space<vmem_shared>>
        tpu.enqueue_dma source(%dma_start3A_45 : memref<656x128xf32, #tpu.memory_space<vmem_shared>>) target(%dma_start3A_43 : memref<656x128xf32, #tpu.memory_space<hbm>>) target_semaphore(%run_scoped3A : memref<!tpu.dma_semaphore, #tpu.memory_space<semaphore_mem>>)
        %dma_wait3A = arith.constant 0 : i32
        %dma_wait3A_46 = tpu.memref_slice %arg5[%mul3A_42, %dma_wait3A] : memref<10496x128xf32, #tpu.memory_space<hbm>> -> memref<656x128xf32, #tpu.memory_space<hbm>>
        %dma_wait3A_47 = arith.constant 0 : i32
        %dma_wait3A_48 = tpu.memref_slice %arg10[%mul3A_40, %dma_wait3A_47] : memref<10496x128xf32, #tpu.memory_space<vmem_shared>> -> memref<656x128xf32, #tpu.memory_space<vmem_shared>>
        tpu.wait_dma2 semaphore(%run_scoped3A : memref<!tpu.dma_semaphore, #tpu.memory_space<semaphore_mem>>) src(%dma_wait3A_48 : memref<656x128xf32, #tpu.memory_space<vmem_shared>>) dst(%dma_wait3A_46 : memref<656x128xf32, #tpu.memory_space<hbm>>)
        tpu.yield
      }) : () -> ()
    } else {
    }
    return
  }
}

#map = affine_map<(d0, d1) -> (0, 0)>
module attributes {stable_mosaic.version = 14 : i64} {
  func.func @_sc_body(%arg0: i32, %arg1: i32, %arg2: memref<10000x128xf32, #tpu.memory_space<hbm>>, %arg3: memref<2560x128xi32, #tpu.memory_space<hbm>>, %arg4: memref<2560x128xi32, #tpu.memory_space<hbm>>, %arg5: memref<10496x128xf32, #tpu.memory_space<hbm>>, %arg6: memref<40x128xi32, #tpu.memory_space<vmem>>, %arg7: memref<40x128xi32, #tpu.memory_space<vmem>>, %arg8: memref<128x128xf32, #tpu.memory_space<vmem>>, %arg9: memref<128x128xf32, #tpu.memory_space<vmem>>, %arg10: memref<10496x128xf32, #tpu.memory_space<vmem_shared>>, %arg11: memref<!tpu.dma_semaphore, #tpu.memory_space<semaphore_mem>>, %arg12: memref<!tpu.dma_semaphore, #tpu.memory_space<semaphore_mem>>) attributes {dimension_semantics = [#tpu.dimension_semantics<core_parallel>, #tpu.dimension_semantics<subcore_parallel>], iteration_bounds = array<i64: 2, 16>, scalar_prefetch = 0 : i64, scratch_operands = 7 : i64, tpu.core_type = #tpu.core_type<sc_vector_subcore>, window_params = [{transform_indices = #map}, {transform_indices = #map}, {transform_indices = #map}, {transform_indices = #map}]} {
    %eq3A = arith.constant 0 : i32
    %eq3A_0 = arith.cmpi eq, %arg0, %eq3A : i32
    %convert_element_type3A = arith.extui %eq3A_0 : i1 to i32
    %cond3A = arith.constant 0 : i32
    %cond3A_1 = arith.cmpi ne, %convert_element_type3A, %cond3A : i32
    scf.if %cond3A_1 {
      %broadcast_in_dim3A = arith.constant 0.000000e+00 : f32
      %broadcast_in_dim3A_2 = vector.broadcast %broadcast_in_dim3A : f32 to vector<16xf32>
      %scan3A = arith.constant 0 : i32
      %scan3A_3 = arith.constant 0 : i32
      %scan3A_4 = arith.constant 128 : i32
      %scan3A_5 = arith.addi %scan3A_3, %scan3A_4 : i32
      %scan3A_6 = arith.constant 1 : i32
      %scan3A_7 = scf.for %scan3A_43 = %scan3A_3 to %scan3A_5 step %scan3A_6 iter_args(%scan3A_44 = %scan3A) -> (i32)  : i32 {
        %swap3A = arith.index_cast %scan3A_43 : i32 to index
        %swap3A_45 = arith.constant 0 : index
        %swap3A_46 = tpu.vector_load %arg8[%swap3A, %swap3A_45] {strides = array<i32>} : memref<128x128xf32, #tpu.memory_space<vmem>>, vector<1x16xf32>,
        %swap3A_47 = vector.shape_cast %swap3A_46 : vector<1x16xf32> to vector<16xf32>
        %swap3A_48 = vector.shape_cast %broadcast_in_dim3A_2 : vector<16xf32> to vector<1x16xf32>
        tpu.vector_store %arg8[%swap3A, %swap3A_45], %swap3A_48 {strides = array<i32>} : memref<128x128xf32, #tpu.memory_space<vmem>>, vector<1x16xf32>,
        %swap3A_49 = arith.index_cast %scan3A_43 : i32 to index
        %swap3A_50 = arith.constant 16 : index
        %swap3A_51 = tpu.vector_load %arg8[%swap3A_49, %swap3A_50] {strides = array<i32>} : memref<128x128xf32, #tpu.memory_space<vmem>>, vector<1x16xf32>,
        %swap3A_52 = vector.shape_cast %swap3A_51 : vector<1x16xf32> to vector<16xf32>
        %swap3A_53 = vector.shape_cast %broadcast_in_dim3A_2 : vector<16xf32> to vector<1x16xf32>
        tpu.vector_store %arg8[%swap3A_49, %swap3A_50], %swap3A_53 {strides = array<i32>} : memref<128x128xf32, #tpu.memory_space<vmem>>, vector<1x16xf32>,
        %swap3A_54 = arith.index_cast %scan3A_43 : i32 to index
        %swap3A_55 = arith.constant 32 : index
        %swap3A_56 = tpu.vector_load %arg8[%swap3A_54, %swap3A_55] {strides = array<i32>} : memref<128x128xf32, #tpu.memory_space<vmem>>, vector<1x16xf32>,
        %swap3A_57 = vector.shape_cast %swap3A_56 : vector<1x16xf32> to vector<16xf32>
        %swap3A_58 = vector.shape_cast %broadcast_in_dim3A_2 : vector<16xf32> to vector<1x16xf32>
        tpu.vector_store %arg8[%swap3A_54, %swap3A_55], %swap3A_58 {strides = array<i32>} : memref<128x128xf32, #tpu.memory_space<vmem>>, vector<1x16xf32>,
        %swap3A_59 = arith.index_cast %scan3A_43 : i32 to index
        %swap3A_60 = arith.constant 48 : index
        %swap3A_61 = tpu.vector_load %arg8[%swap3A_59, %swap3A_60] {strides = array<i32>} : memref<128x128xf32, #tpu.memory_space<vmem>>, vector<1x16xf32>,
        %swap3A_62 = vector.shape_cast %swap3A_61 : vector<1x16xf32> to vector<16xf32>
        %swap3A_63 = vector.shape_cast %broadcast_in_dim3A_2 : vector<16xf32> to vector<1x16xf32>
        tpu.vector_store %arg8[%swap3A_59, %swap3A_60], %swap3A_63 {strides = array<i32>} : memref<128x128xf32, #tpu.memory_space<vmem>>, vector<1x16xf32>,
        %swap3A_64 = arith.index_cast %scan3A_43 : i32 to index
        %swap3A_65 = arith.constant 64 : index
        %swap3A_66 = tpu.vector_load %arg8[%swap3A_64, %swap3A_65] {strides = array<i32>} : memref<128x128xf32, #tpu.memory_space<vmem>>, vector<1x16xf32>,
        %swap3A_67 = vector.shape_cast %swap3A_66 : vector<1x16xf32> to vector<16xf32>
        %swap3A_68 = vector.shape_cast %broadcast_in_dim3A_2 : vector<16xf32> to vector<1x16xf32>
        tpu.vector_store %arg8[%swap3A_64, %swap3A_65], %swap3A_68 {strides = array<i32>} : memref<128x128xf32, #tpu.memory_space<vmem>>, vector<1x16xf32>,
        %swap3A_69 = arith.index_cast %scan3A_43 : i32 to index
        %swap3A_70 = arith.constant 80 : index
        %swap3A_71 = tpu.vector_load %arg8[%swap3A_69, %swap3A_70] {strides = array<i32>} : memref<128x128xf32, #tpu.memory_space<vmem>>, vector<1x16xf32>,
        %swap3A_72 = vector.shape_cast %swap3A_71 : vector<1x16xf32> to vector<16xf32>
        %swap3A_73 = vector.shape_cast %broadcast_in_dim3A_2 : vector<16xf32> to vector<1x16xf32>
        tpu.vector_store %arg8[%swap3A_69, %swap3A_70], %swap3A_73 {strides = array<i32>} : memref<128x128xf32, #tpu.memory_space<vmem>>, vector<1x16xf32>,
        %swap3A_74 = arith.index_cast %scan3A_43 : i32 to index
        %swap3A_75 = arith.constant 96 : index
        %swap3A_76 = tpu.vector_load %arg8[%swap3A_74, %swap3A_75] {strides = array<i32>} : memref<128x128xf32, #tpu.memory_space<vmem>>, vector<1x16xf32>,
        %swap3A_77 = vector.shape_cast %swap3A_76 : vector<1x16xf32> to vector<16xf32>
        %swap3A_78 = vector.shape_cast %broadcast_in_dim3A_2 : vector<16xf32> to vector<1x16xf32>
        tpu.vector_store %arg8[%swap3A_74, %swap3A_75], %swap3A_78 {strides = array<i32>} : memref<128x128xf32, #tpu.memory_space<vmem>>, vector<1x16xf32>,
        %swap3A_79 = arith.index_cast %scan3A_43 : i32 to index
        %swap3A_80 = arith.constant 112 : index
        %swap3A_81 = tpu.vector_load %arg8[%swap3A_79, %swap3A_80] {strides = array<i32>} : memref<128x128xf32, #tpu.memory_space<vmem>>, vector<1x16xf32>,
        %swap3A_82 = vector.shape_cast %swap3A_81 : vector<1x16xf32> to vector<16xf32>
        %swap3A_83 = vector.shape_cast %broadcast_in_dim3A_2 : vector<16xf32> to vector<1x16xf32>
        tpu.vector_store %arg8[%swap3A_79, %swap3A_80], %swap3A_83 {strides = array<i32>} : memref<128x128xf32, #tpu.memory_space<vmem>>, vector<1x16xf32>,
        %scan3A_84 = arith.constant 0 : i32
        scf.yield %scan3A_84 : i32
      }
      %scan3A_8 = arith.constant 128 : i32
      %mul3A = arith.constant 656 : i32
      %mul3A_9 = arith.muli %arg1, %mul3A : i32
      %add3A = arith.constant 0 : i32
      %add3A_10 = arith.addi %mul3A_9, %add3A : i32
      "tpu.region"() ({
        %run_scoped3A = tpu.sem_alloc : memref<!tpu.dma_semaphore, #tpu.memory_space<semaphore_mem>>
        %dma_start3A = arith.constant 0 : i32
        %dma_start3A_43 = tpu.memref_slice %arg10[%add3A_10, %dma_start3A] : memref<10496x128xf32, #tpu.memory_space<vmem_shared>> -> memref<128x128xf32, #tpu.memory_space<vmem_shared>>
        %dma_start3A_44 = arith.constant 0 : i32
        %dma_start3A_45 = tpu.memref_slice %arg10[%add3A_10, %dma_start3A_44] : memref<10496x128xf32, #tpu.memory_space<vmem_shared>> -> memref<128x128xf32, #tpu.memory_space<vmem_shared>>
        tpu.enqueue_dma source(%arg8 : memref<128x128xf32, #tpu.memory_space<vmem>>) target(%dma_start3A_45 : memref<128x128xf32, #tpu.memory_space<vmem_shared>>) target_semaphore(%run_scoped3A : memref<!tpu.dma_semaphore, #tpu.memory_space<semaphore_mem>>)
        %dma_wait3A = arith.constant 0 : i32
        %dma_wait3A_46 = tpu.memref_slice %arg10[%add3A_10, %dma_wait3A] : memref<10496x128xf32, #tpu.memory_space<vmem_shared>> -> memref<128x128xf32, #tpu.memory_space<vmem_shared>>
        %dma_wait3A_47 = arith.constant 0 : i32
        %dma_wait3A_48 = tpu.memref_slice %arg10[%add3A_10, %dma_wait3A_47] : memref<10496x128xf32, #tpu.memory_space<vmem_shared>> -> memref<128x128xf32, #tpu.memory_space<vmem_shared>>
        tpu.wait_dma2 semaphore(%run_scoped3A : memref<!tpu.dma_semaphore, #tpu.memory_space<semaphore_mem>>) src(%arg8 : memref<128x128xf32, #tpu.memory_space<vmem>>) dst(%dma_wait3A_48 : memref<128x128xf32, #tpu.memory_space<vmem_shared>>)
        tpu.yield
      }) : () -> ()
      %mul3A_11 = arith.constant 656 : i32
      %mul3A_12 = arith.muli %arg1, %mul3A_11 : i32
      %add3A_13 = arith.constant 128 : i32
      %add3A_14 = arith.addi %mul3A_12, %add3A_13 : i32
      "tpu.region"() ({
        %run_scoped3A = tpu.sem_alloc : memref<!tpu.dma_semaphore, #tpu.memory_space<semaphore_mem>>
        %dma_start3A = arith.constant 0 : i32
        %dma_start3A_43 = tpu.memref_slice %arg10[%add3A_14, %dma_start3A] : memref<10496x128xf32, #tpu.memory_space<vmem_shared>> -> memref<128x128xf32, #tpu.memory_space<vmem_shared>>
        %dma_start3A_44 = arith.constant 0 : i32
        %dma_start3A_45 = tpu.memref_slice %arg10[%add3A_14, %dma_start3A_44] : memref<10496x128xf32, #tpu.memory_space<vmem_shared>> -> memref<128x128xf32, #tpu.memory_space<vmem_shared>>
        tpu.enqueue_dma source(%arg8 : memref<128x128xf32, #tpu.memory_space<vmem>>) target(%dma_start3A_45 : memref<128x128xf32, #tpu.memory_space<vmem_shared>>) target_semaphore(%run_scoped3A : memref<!tpu.dma_semaphore, #tpu.memory_space<semaphore_mem>>)
        %dma_wait3A = arith.constant 0 : i32
        %dma_wait3A_46 = tpu.memref_slice %arg10[%add3A_14, %dma_wait3A] : memref<10496x128xf32, #tpu.memory_space<vmem_shared>> -> memref<128x128xf32, #tpu.memory_space<vmem_shared>>
        %dma_wait3A_47 = arith.constant 0 : i32
        %dma_wait3A_48 = tpu.memref_slice %arg10[%add3A_14, %dma_wait3A_47] : memref<10496x128xf32, #tpu.memory_space<vmem_shared>> -> memref<128x128xf32, #tpu.memory_space<vmem_shared>>
        tpu.wait_dma2 semaphore(%run_scoped3A : memref<!tpu.dma_semaphore, #tpu.memory_space<semaphore_mem>>) src(%arg8 : memref<128x128xf32, #tpu.memory_space<vmem>>) dst(%dma_wait3A_48 : memref<128x128xf32, #tpu.memory_space<vmem_shared>>)
        tpu.yield
      }) : () -> ()
      %mul3A_15 = arith.constant 656 : i32
      %mul3A_16 = arith.muli %arg1, %mul3A_15 : i32
      %add3A_17 = arith.constant 256 : i32
      %add3A_18 = arith.addi %mul3A_16, %add3A_17 : i32
      "tpu.region"() ({
        %run_scoped3A = tpu.sem_alloc : memref<!tpu.dma_semaphore, #tpu.memory_space<semaphore_mem>>
        %dma_start3A = arith.constant 0 : i32
        %dma_start3A_43 = tpu.memref_slice %arg10[%add3A_18, %dma_start3A] : memref<10496x128xf32, #tpu.memory_space<vmem_shared>> -> memref<128x128xf32, #tpu.memory_space<vmem_shared>>
        %dma_start3A_44 = arith.constant 0 : i32
        %dma_start3A_45 = tpu.memref_slice %arg10[%add3A_18, %dma_start3A_44] : memref<10496x128xf32, #tpu.memory_space<vmem_shared>> -> memref<128x128xf32, #tpu.memory_space<vmem_shared>>
        tpu.enqueue_dma source(%arg8 : memref<128x128xf32, #tpu.memory_space<vmem>>) target(%dma_start3A_45 : memref<128x128xf32, #tpu.memory_space<vmem_shared>>) target_semaphore(%run_scoped3A : memref<!tpu.dma_semaphore, #tpu.memory_space<semaphore_mem>>)
        %dma_wait3A = arith.constant 0 : i32
        %dma_wait3A_46 = tpu.memref_slice %arg10[%add3A_18, %dma_wait3A] : memref<10496x128xf32, #tpu.memory_space<vmem_shared>> -> memref<128x128xf32, #tpu.memory_space<vmem_shared>>
        %dma_wait3A_47 = arith.constant 0 : i32
        %dma_wait3A_48 = tpu.memref_slice %arg10[%add3A_18, %dma_wait3A_47] : memref<10496x128xf32, #tpu.memory_space<vmem_shared>> -> memref<128x128xf32, #tpu.memory_space<vmem_shared>>
        tpu.wait_dma2 semaphore(%run_scoped3A : memref<!tpu.dma_semaphore, #tpu.memory_space<semaphore_mem>>) src(%arg8 : memref<128x128xf32, #tpu.memory_space<vmem>>) dst(%dma_wait3A_48 : memref<128x128xf32, #tpu.memory_space<vmem_shared>>)
        tpu.yield
      }) : () -> ()
      %mul3A_19 = arith.constant 656 : i32
      %mul3A_20 = arith.muli %arg1, %mul3A_19 : i32
      %add3A_21 = arith.constant 384 : i32
      %add3A_22 = arith.addi %mul3A_20, %add3A_21 : i32
      "tpu.region"() ({
        %run_scoped3A = tpu.sem_alloc : memref<!tpu.dma_semaphore, #tpu.memory_space<semaphore_mem>>
        %dma_start3A = arith.constant 0 : i32
        %dma_start3A_43 = tpu.memref_slice %arg10[%add3A_22, %dma_start3A] : memref<10496x128xf32, #tpu.memory_space<vmem_shared>> -> memref<128x128xf32, #tpu.memory_space<vmem_shared>>
        %dma_start3A_44 = arith.constant 0 : i32
        %dma_start3A_45 = tpu.memref_slice %arg10[%add3A_22, %dma_start3A_44] : memref<10496x128xf32, #tpu.memory_space<vmem_shared>> -> memref<128x128xf32, #tpu.memory_space<vmem_shared>>
        tpu.enqueue_dma source(%arg8 : memref<128x128xf32, #tpu.memory_space<vmem>>) target(%dma_start3A_45 : memref<128x128xf32, #tpu.memory_space<vmem_shared>>) target_semaphore(%run_scoped3A : memref<!tpu.dma_semaphore, #tpu.memory_space<semaphore_mem>>)
        %dma_wait3A = arith.constant 0 : i32
        %dma_wait3A_46 = tpu.memref_slice %arg10[%add3A_22, %dma_wait3A] : memref<10496x128xf32, #tpu.memory_space<vmem_shared>> -> memref<128x128xf32, #tpu.memory_space<vmem_shared>>
        %dma_wait3A_47 = arith.constant 0 : i32
        %dma_wait3A_48 = tpu.memref_slice %arg10[%add3A_22, %dma_wait3A_47] : memref<10496x128xf32, #tpu.memory_space<vmem_shared>> -> memref<128x128xf32, #tpu.memory_space<vmem_shared>>
        tpu.wait_dma2 semaphore(%run_scoped3A : memref<!tpu.dma_semaphore, #tpu.memory_space<semaphore_mem>>) src(%arg8 : memref<128x128xf32, #tpu.memory_space<vmem>>) dst(%dma_wait3A_48 : memref<128x128xf32, #tpu.memory_space<vmem_shared>>)
        tpu.yield
      }) : () -> ()
      %mul3A_23 = arith.constant 656 : i32
      %mul3A_24 = arith.muli %arg1, %mul3A_23 : i32
      %add3A_25 = arith.constant 512 : i32
      %add3A_26 = arith.addi %mul3A_24, %add3A_25 : i32
      "tpu.region"() ({
        %run_scoped3A = tpu.sem_alloc : memref<!tpu.dma_semaphore, #tpu.memory_space<semaphore_mem>>
        %dma_start3A = arith.constant 0 : i32
        %dma_start3A_43 = tpu.memref_slice %arg10[%add3A_26, %dma_start3A] : memref<10496x128xf32, #tpu.memory_space<vmem_shared>> -> memref<128x128xf32, #tpu.memory_space<vmem_shared>>
        %dma_start3A_44 = arith.constant 0 : i32
        %dma_start3A_45 = tpu.memref_slice %arg10[%add3A_26, %dma_start3A_44] : memref<10496x128xf32, #tpu.memory_space<vmem_shared>> -> memref<128x128xf32, #tpu.memory_space<vmem_shared>>
        tpu.enqueue_dma source(%arg8 : memref<128x128xf32, #tpu.memory_space<vmem>>) target(%dma_start3A_45 : memref<128x128xf32, #tpu.memory_space<vmem_shared>>) target_semaphore(%run_scoped3A : memref<!tpu.dma_semaphore, #tpu.memory_space<semaphore_mem>>)
        %dma_wait3A = arith.constant 0 : i32
        %dma_wait3A_46 = tpu.memref_slice %arg10[%add3A_26, %dma_wait3A] : memref<10496x128xf32, #tpu.memory_space<vmem_shared>> -> memref<128x128xf32, #tpu.memory_space<vmem_shared>>
        %dma_wait3A_47 = arith.constant 0 : i32
        %dma_wait3A_48 = tpu.memref_slice %arg10[%add3A_26, %dma_wait3A_47] : memref<10496x128xf32, #tpu.memory_space<vmem_shared>> -> memref<128x128xf32, #tpu.memory_space<vmem_shared>>
        tpu.wait_dma2 semaphore(%run_scoped3A : memref<!tpu.dma_semaphore, #tpu.memory_space<semaphore_mem>>) src(%arg8 : memref<128x128xf32, #tpu.memory_space<vmem>>) dst(%dma_wait3A_48 : memref<128x128xf32, #tpu.memory_space<vmem_shared>>)
        tpu.yield
      }) : () -> ()
      %mul3A_27 = arith.constant 656 : i32
      %mul3A_28 = arith.muli %arg1, %mul3A_27 : i32
      %add3A_29 = arith.constant 640 : i32
      %add3A_30 = arith.addi %mul3A_28, %add3A_29 : i32
      "tpu.region"() ({
        %run_scoped3A = tpu.sem_alloc : memref<!tpu.dma_semaphore, #tpu.memory_space<semaphore_mem>>
        %dma_start3A = arith.constant 0 : i32
        %dma_start3A_43 = arith.constant 0 : i32
        %dma_start3A_44 = tpu.memref_slice %arg8[%dma_start3A, %dma_start3A_43] : memref<128x128xf32, #tpu.memory_space<vmem>> -> memref<16x128xf32, #tpu.memory_space<vmem>>
        %dma_start3A_45 = arith.constant 0 : i32
        %dma_start3A_46 = tpu.memref_slice %arg10[%add3A_30, %dma_start3A_45] : memref<10496x128xf32, #tpu.memory_space<vmem_shared>> -> memref<16x128xf32, #tpu.memory_space<vmem_shared>>
        %dma_start3A_47 = arith.constant 0 : i32
        %dma_start3A_48 = tpu.memref_slice %arg10[%add3A_30, %dma_start3A_47] : memref<10496x128xf32, #tpu.memory_space<vmem_shared>> -> memref<16x128xf32, #tpu.memory_space<vmem_shared>>
        %dma_start3A_49 = arith.constant 0 : i32
        %dma_start3A_50 = arith.constant 0 : i32
        %dma_start3A_51 = tpu.memref_slice %arg8[%dma_start3A_49, %dma_start3A_50] : memref<128x128xf32, #tpu.memory_space<vmem>> -> memref<16x128xf32, #tpu.memory_space<vmem>>
        tpu.enqueue_dma source(%dma_start3A_51 : memref<16x128xf32, #tpu.memory_space<vmem>>) target(%dma_start3A_48 : memref<16x128xf32, #tpu.memory_space<vmem_shared>>) target_semaphore(%run_scoped3A : memref<!tpu.dma_semaphore, #tpu.memory_space<semaphore_mem>>)
        %dma_wait3A = arith.constant 0 : i32
        %dma_wait3A_52 = arith.constant 0 : i32
        %dma_wait3A_53 = tpu.memref_slice %arg8[%dma_wait3A, %dma_wait3A_52] : memref<128x128xf32, #tpu.memory_space<vmem>> -> memref<16x128xf32, #tpu.memory_space<vmem>>
        %dma_wait3A_54 = arith.constant 0 : i32
        %dma_wait3A_55 = tpu.memref_slice %arg10[%add3A_30, %dma_wait3A_54] : memref<10496x128xf32, #tpu.memory_space<vmem_shared>> -> memref<16x128xf32, #tpu.memory_space<vmem_shared>>
        %dma_wait3A_56 = arith.constant 0 : i32
        %dma_wait3A_57 = tpu.memref_slice %arg10[%add3A_30, %dma_wait3A_56] : memref<10496x128xf32, #tpu.memory_space<vmem_shared>> -> memref<16x128xf32, #tpu.memory_space<vmem_shared>>
        %dma_wait3A_58 = arith.constant 0 : i32
        %dma_wait3A_59 = arith.constant 0 : i32
        %dma_wait3A_60 = tpu.memref_slice %arg8[%dma_wait3A_58, %dma_wait3A_59] : memref<128x128xf32, #tpu.memory_space<vmem>> -> memref<16x128xf32, #tpu.memory_space<vmem>>
        tpu.wait_dma2 semaphore(%run_scoped3A : memref<!tpu.dma_semaphore, #tpu.memory_space<semaphore_mem>>) src(%dma_wait3A_60 : memref<16x128xf32, #tpu.memory_space<vmem>>) dst(%dma_wait3A_57 : memref<16x128xf32, #tpu.memory_space<vmem_shared>>)
        tpu.yield
      }) : () -> ()
      %barrier3A = arith.constant 0 : index
      tpu.barrier barrier_id(%barrier3A)
      %scan3A_31 = arith.constant 0 : i32
      %scan3A_32 = arith.constant 0 : i32
      %scan3A_33 = arith.constant 2 : i32
      %scan3A_34 = arith.addi %scan3A_32, %scan3A_33 : i32
      %scan3A_35 = arith.constant 1 : i32
      %scan3A_36 = scf.for %scan3A_43 = %scan3A_32 to %scan3A_34 step %scan3A_35 iter_args(%scan3A_44 = %scan3A_31) -> (i32)  : i32 {
        %mul3A_45 = arith.constant 2 : i32
        %mul3A_46 = arith.muli %arg1, %mul3A_45 : i32
        %add3A_47 = arith.addi %mul3A_46, %scan3A_43 : i32
        %mul3A_48 = arith.constant 40 : i32
        %mul3A_49 = arith.muli %add3A_47, %mul3A_48 : i32
        %add3A_50 = arith.constant 1280 : i32
        %add3A_51 = arith.addi %add3A_50, %mul3A_49 : i32
        "tpu.region"() ({
          %run_scoped3A_87 = tpu.sem_alloc : memref<!tpu.dma_semaphore, #tpu.memory_space<semaphore_mem>>
          %dma_start3A_88 = arith.constant 0 : i32
          %dma_start3A_89 = tpu.memref_slice %arg3[%add3A_51, %dma_start3A_88] : memref<2560x128xi32, #tpu.memory_space<hbm>> -> memref<40x128xi32, #tpu.memory_space<hbm>>
          %dma_start3A_90 = arith.constant 0 : i32
          %dma_start3A_91 = tpu.memref_slice %arg3[%add3A_51, %dma_start3A_90] : memref<2560x128xi32, #tpu.memory_space<hbm>> -> memref<40x128xi32, #tpu.memory_space<hbm>>
          tpu.enqueue_dma source(%dma_start3A_91 : memref<40x128xi32, #tpu.memory_space<hbm>>) target(%arg6 : memref<40x128xi32, #tpu.memory_space<vmem>>) target_semaphore(%run_scoped3A_87 : memref<!tpu.dma_semaphore, #tpu.memory_space<semaphore_mem>>)
          %dma_wait3A_92 = arith.constant 0 : i32
          %dma_wait3A_93 = tpu.memref_slice %arg3[%add3A_51, %dma_wait3A_92] : memref<2560x128xi32, #tpu.memory_space<hbm>> -> memref<40x128xi32, #tpu.memory_space<hbm>>
          %dma_wait3A_94 = arith.constant 0 : i32
          %dma_wait3A_95 = tpu.memref_slice %arg3[%add3A_51, %dma_wait3A_94] : memref<2560x128xi32, #tpu.memory_space<hbm>> -> memref<40x128xi32, #tpu.memory_space<hbm>>
          tpu.wait_dma2 semaphore(%run_scoped3A_87 : memref<!tpu.dma_semaphore, #tpu.memory_space<semaphore_mem>>) src(%dma_wait3A_95 : memref<40x128xi32, #tpu.memory_space<hbm>>) dst(%arg6 : memref<40x128xi32, #tpu.memory_space<vmem>>)
          tpu.yield
        }) : () -> ()
        "tpu.region"() ({
          %run_scoped3A_87 = tpu.sem_alloc : memref<!tpu.dma_semaphore, #tpu.memory_space<semaphore_mem>>
          %dma_start3A_88 = arith.constant 0 : i32
          %dma_start3A_89 = tpu.memref_slice %arg4[%add3A_51, %dma_start3A_88] : memref<2560x128xi32, #tpu.memory_space<hbm>> -> memref<40x128xi32, #tpu.memory_space<hbm>>
          %dma_start3A_90 = arith.constant 0 : i32
          %dma_start3A_91 = tpu.memref_slice %arg4[%add3A_51, %dma_start3A_90] : memref<2560x128xi32, #tpu.memory_space<hbm>> -> memref<40x128xi32, #tpu.memory_space<hbm>>
          tpu.enqueue_dma source(%dma_start3A_91 : memref<40x128xi32, #tpu.memory_space<hbm>>) target(%arg7 : memref<40x128xi32, #tpu.memory_space<vmem>>) target_semaphore(%run_scoped3A_87 : memref<!tpu.dma_semaphore, #tpu.memory_space<semaphore_mem>>)
          %dma_wait3A_92 = arith.constant 0 : i32
          %dma_wait3A_93 = tpu.memref_slice %arg4[%add3A_51, %dma_wait3A_92] : memref<2560x128xi32, #tpu.memory_space<hbm>> -> memref<40x128xi32, #tpu.memory_space<hbm>>
          %dma_wait3A_94 = arith.constant 0 : i32
          %dma_wait3A_95 = tpu.memref_slice %arg4[%add3A_51, %dma_wait3A_94] : memref<2560x128xi32, #tpu.memory_space<hbm>> -> memref<40x128xi32, #tpu.memory_space<hbm>>
          tpu.wait_dma2 semaphore(%run_scoped3A_87 : memref<!tpu.dma_semaphore, #tpu.memory_space<semaphore_mem>>) src(%dma_wait3A_95 : memref<40x128xi32, #tpu.memory_space<hbm>>) dst(%arg7 : memref<40x128xi32, #tpu.memory_space<vmem>>)
          tpu.yield
        }) : () -> ()
        %dma_start3A = arith.constant 0 : i32
        %dma_start3A_52 = arith.constant 0 : i32
        %dma_start3A_53 = tpu.memref_slice %arg6[%dma_start3A, %dma_start3A_52] : memref<40x128xi32, #tpu.memory_space<vmem>> -> memref<1x128xi32, #tpu.memory_space<vmem>>
        %dma_start3A_54 = tpu.memref_squeeze %dma_start3A_53 : memref<1x128xi32, #tpu.memory_space<vmem>> -> memref<128xi32, #tpu.memory_space<vmem>>
        %dma_start3A_55 = arith.constant 0 : i32
        %dma_start3A_56 = arith.constant 0 : i32
        %dma_start3A_57 = tpu.memref_slice %arg2[%dma_start3A_55, %dma_start3A_56] : memref<10000x128xf32, #tpu.memory_space<hbm>> -> memref<10000x128xf32, #tpu.memory_space<hbm>>
        tpu.enqueue_indirect_dma source(%dma_start3A_57 : memref<10000x128xf32, #tpu.memory_space<hbm>>) target(%arg8 : memref<128x128xf32, #tpu.memory_space<vmem>>) offsets(%dma_start3A_54 : memref<128xi32, #tpu.memory_space<vmem>>) semaphore(%arg11 : memref<!tpu.dma_semaphore, #tpu.memory_space<semaphore_mem>>)
        %dma_start3A_58 = arith.constant 1 : i32
        %dma_start3A_59 = arith.constant 0 : i32
        %dma_start3A_60 = tpu.memref_slice %arg6[%dma_start3A_58, %dma_start3A_59] : memref<40x128xi32, #tpu.memory_space<vmem>> -> memref<1x128xi32, #tpu.memory_space<vmem>>
        %dma_start3A_61 = tpu.memref_squeeze %dma_start3A_60 : memref<1x128xi32, #tpu.memory_space<vmem>> -> memref<128xi32, #tpu.memory_space<vmem>>
        %dma_start3A_62 = arith.constant 0 : i32
        %dma_start3A_63 = arith.constant 0 : i32
        %dma_start3A_64 = tpu.memref_slice %arg2[%dma_start3A_62, %dma_start3A_63] : memref<10000x128xf32, #tpu.memory_space<hbm>> -> memref<10000x128xf32, #tpu.memory_space<hbm>>
        tpu.enqueue_indirect_dma source(%dma_start3A_64 : memref<10000x128xf32, #tpu.memory_space<hbm>>) target(%arg9 : memref<128x128xf32, #tpu.memory_space<vmem>>) offsets(%dma_start3A_61 : memref<128xi32, #tpu.memory_space<vmem>>) semaphore(%arg12 : memref<!tpu.dma_semaphore, #tpu.memory_space<semaphore_mem>>)
        %scan3A_65 = arith.constant 0 : i32
        %scan3A_66 = arith.constant 0 : i32
        %scan3A_67 = arith.constant 19 : i32
        %scan3A_68 = arith.addi %scan3A_66, %scan3A_67 : i32
        %scan3A_69 = arith.constant 1 : i32
        %scan3A_70 = scf.for %scan3A_87 = %scan3A_66 to %scan3A_68 step %scan3A_69 iter_args(%scan3A_88 = %scan3A_65) -> (i32)  : i32 {
          %mul3A_89 = arith.constant 2 : i32
          %mul3A_90 = arith.muli %mul3A_89, %scan3A_87 : i32
          %dma_wait3A_91 = arith.constant 0 : i32
          %dma_wait3A_92 = tpu.memref_slice %arg6[%mul3A_90, %dma_wait3A_91] : memref<40x128xi32, #tpu.memory_space<vmem>> -> memref<1x128xi32, #tpu.memory_space<vmem>>
          %dma_wait3A_93 = tpu.memref_squeeze %dma_wait3A_92 : memref<1x128xi32, #tpu.memory_space<vmem>> -> memref<128xi32, #tpu.memory_space<vmem>>
          %dma_wait3A_94 = arith.constant 0 : i32
          %dma_wait3A_95 = arith.constant 0 : i32
          %dma_wait3A_96 = tpu.memref_slice %arg2[%dma_wait3A_94, %dma_wait3A_95] : memref<10000x128xf32, #tpu.memory_space<hbm>> -> memref<10000x128xf32, #tpu.memory_space<hbm>>
          tpu.wait_indirect_dma semaphore(%arg11 : memref<!tpu.dma_semaphore, #tpu.memory_space<semaphore_mem>>) src(%dma_wait3A_96 : memref<10000x128xf32, #tpu.memory_space<hbm>>) dst(%arg8 : memref<128x128xf32, #tpu.memory_space<vmem>>)
          "tpu.region"() ({
            %run_scoped3A_124 = tpu.sem_alloc : memref<!tpu.dma_semaphore, #tpu.memory_space<semaphore_mem>>
            %dma_start3A_125 = arith.constant 0 : i32
            %dma_start3A_126 = tpu.memref_slice %arg7[%mul3A_90, %dma_start3A_125] : memref<40x128xi32, #tpu.memory_space<vmem>> -> memref<1x128xi32, #tpu.memory_space<vmem>>
            %dma_start3A_127 = tpu.memref_squeeze %dma_start3A_126 : memref<1x128xi32, #tpu.memory_space<vmem>> -> memref<128xi32, #tpu.memory_space<vmem>>
            %dma_start3A_128 = arith.constant 0 : i32
            %dma_start3A_129 = arith.constant 0 : i32
            %dma_start3A_130 = tpu.memref_slice %arg10[%dma_start3A_128, %dma_start3A_129] : memref<10496x128xf32, #tpu.memory_space<vmem_shared>> -> memref<10496x128xf32, #tpu.memory_space<vmem_shared>>
            tpu.enqueue_indirect_dma source(%arg8 : memref<128x128xf32, #tpu.memory_space<vmem>>) target(%dma_start3A_130 : memref<10496x128xf32, #tpu.memory_space<vmem_shared>>) offsets(%dma_start3A_127 : memref<128xi32, #tpu.memory_space<vmem>>) semaphore(%run_scoped3A_124 : memref<!tpu.dma_semaphore, #tpu.memory_space<semaphore_mem>>) {add = true}
            %dma_wait3A_131 = arith.constant 0 : i32
            %dma_wait3A_132 = tpu.memref_slice %arg7[%mul3A_90, %dma_wait3A_131] : memref<40x128xi32, #tpu.memory_space<vmem>> -> memref<1x128xi32, #tpu.memory_space<vmem>>
            %dma_wait3A_133 = tpu.memref_squeeze %dma_wait3A_132 : memref<1x128xi32, #tpu.memory_space<vmem>> -> memref<128xi32, #tpu.memory_space<vmem>>
            %dma_wait3A_134 = arith.constant 0 : i32
            %dma_wait3A_135 = arith.constant 0 : i32
            %dma_wait3A_136 = tpu.memref_slice %arg10[%dma_wait3A_134, %dma_wait3A_135] : memref<10496x128xf32, #tpu.memory_space<vmem_shared>> -> memref<10496x128xf32, #tpu.memory_space<vmem_shared>>
            tpu.wait_indirect_dma semaphore(%run_scoped3A_124 : memref<!tpu.dma_semaphore, #tpu.memory_space<semaphore_mem>>) src(%arg8 : memref<128x128xf32, #tpu.memory_space<vmem>>) dst(%dma_wait3A_136 : memref<10496x128xf32, #tpu.memory_space<vmem_shared>>)
            tpu.yield
          }) : () -> ()
          %add3A_97 = arith.constant 2 : i32
          %add3A_98 = arith.addi %mul3A_90, %add3A_97 : i32
          %dma_start3A_99 = arith.constant 0 : i32
          %dma_start3A_100 = tpu.memref_slice %arg6[%add3A_98, %dma_start3A_99] : memref<40x128xi32, #tpu.memory_space<vmem>> -> memref<1x128xi32, #tpu.memory_space<vmem>>
          %dma_start3A_101 = tpu.memref_squeeze %dma_start3A_100 : memref<1x128xi32, #tpu.memory_space<vmem>> -> memref<128xi32, #tpu.memory_space<vmem>>
          %dma_start3A_102 = arith.constant 0 : i32
          %dma_start3A_103 = arith.constant 0 : i32
          %dma_start3A_104 = tpu.memref_slice %arg2[%dma_start3A_102, %dma_start3A_103] : memref<10000x128xf32, #tpu.memory_space<hbm>> -> memref<10000x128xf32, #tpu.memory_space<hbm>>
          tpu.enqueue_indirect_dma source(%dma_start3A_104 : memref<10000x128xf32, #tpu.memory_space<hbm>>) target(%arg8 : memref<128x128xf32, #tpu.memory_space<vmem>>) offsets(%dma_start3A_101 : memref<128xi32, #tpu.memory_space<vmem>>) semaphore(%arg11 : memref<!tpu.dma_semaphore, #tpu.memory_space<semaphore_mem>>)
          %add3A_105 = arith.constant 1 : i32
          %add3A_106 = arith.addi %mul3A_90, %add3A_105 : i32
          %dma_wait3A_107 = arith.constant 0 : i32
          %dma_wait3A_108 = tpu.memref_slice %arg6[%add3A_106, %dma_wait3A_107] : memref<40x128xi32, #tpu.memory_space<vmem>> -> memref<1x128xi32, #tpu.memory_space<vmem>>
          %dma_wait3A_109 = tpu.memref_squeeze %dma_wait3A_108 : memref<1x128xi32, #tpu.memory_space<vmem>> -> memref<128xi32, #tpu.memory_space<vmem>>
          %dma_wait3A_110 = arith.constant 0 : i32
          %dma_wait3A_111 = arith.constant 0 : i32
          %dma_wait3A_112 = tpu.memref_slice %arg2[%dma_wait3A_110, %dma_wait3A_111] : memref<10000x128xf32, #tpu.memory_space<hbm>> -> memref<10000x128xf32, #tpu.memory_space<hbm>>
          tpu.wait_indirect_dma semaphore(%arg12 : memref<!tpu.dma_semaphore, #tpu.memory_space<semaphore_mem>>) src(%dma_wait3A_112 : memref<10000x128xf32, #tpu.memory_space<hbm>>) dst(%arg9 : memref<128x128xf32, #tpu.memory_space<vmem>>)
          %add3A_113 = arith.constant 1 : i32
          %add3A_114 = arith.addi %mul3A_90, %add3A_113 : i32
          "tpu.region"() ({
            %run_scoped3A_124 = tpu.sem_alloc : memref<!tpu.dma_semaphore, #tpu.memory_space<semaphore_mem>>
            %dma_start3A_125 = arith.constant 0 : i32
            %dma_start3A_126 = tpu.memref_slice %arg7[%add3A_114, %dma_start3A_125] : memref<40x128xi32, #tpu.memory_space<vmem>> -> memref<1x128xi32, #tpu.memory_space<vmem>>
            %dma_start3A_127 = tpu.memref_squeeze %dma_start3A_126 : memref<1x128xi32, #tpu.memory_space<vmem>> -> memref<128xi32, #tpu.memory_space<vmem>>
            %dma_start3A_128 = arith.constant 0 : i32
            %dma_start3A_129 = arith.constant 0 : i32
            %dma_start3A_130 = tpu.memref_slice %arg10[%dma_start3A_128, %dma_start3A_129] : memref<10496x128xf32, #tpu.memory_space<vmem_shared>> -> memref<10496x128xf32, #tpu.memory_space<vmem_shared>>
            tpu.enqueue_indirect_dma source(%arg9 : memref<128x128xf32, #tpu.memory_space<vmem>>) target(%dma_start3A_130 : memref<10496x128xf32, #tpu.memory_space<vmem_shared>>) offsets(%dma_start3A_127 : memref<128xi32, #tpu.memory_space<vmem>>) semaphore(%run_scoped3A_124 : memref<!tpu.dma_semaphore, #tpu.memory_space<semaphore_mem>>) {add = true}
            %dma_wait3A_131 = arith.constant 0 : i32
            %dma_wait3A_132 = tpu.memref_slice %arg7[%add3A_114, %dma_wait3A_131] : memref<40x128xi32, #tpu.memory_space<vmem>> -> memref<1x128xi32, #tpu.memory_space<vmem>>
            %dma_wait3A_133 = tpu.memref_squeeze %dma_wait3A_132 : memref<1x128xi32, #tpu.memory_space<vmem>> -> memref<128xi32, #tpu.memory_space<vmem>>
            %dma_wait3A_134 = arith.constant 0 : i32
            %dma_wait3A_135 = arith.constant 0 : i32
            %dma_wait3A_136 = tpu.memref_slice %arg10[%dma_wait3A_134, %dma_wait3A_135] : memref<10496x128xf32, #tpu.memory_space<vmem_shared>> -> memref<10496x128xf32, #tpu.memory_space<vmem_shared>>
            tpu.wait_indirect_dma semaphore(%run_scoped3A_124 : memref<!tpu.dma_semaphore, #tpu.memory_space<semaphore_mem>>) src(%arg9 : memref<128x128xf32, #tpu.memory_space<vmem>>) dst(%dma_wait3A_136 : memref<10496x128xf32, #tpu.memory_space<vmem_shared>>)
            tpu.yield
          }) : () -> ()
          %add3A_115 = arith.constant 3 : i32
          %add3A_116 = arith.addi %mul3A_90, %add3A_115 : i32
          %dma_start3A_117 = arith.constant 0 : i32
          %dma_start3A_118 = tpu.memref_slice %arg6[%add3A_116, %dma_start3A_117] : memref<40x128xi32, #tpu.memory_space<vmem>> -> memref<1x128xi32, #tpu.memory_space<vmem>>
          %dma_start3A_119 = tpu.memref_squeeze %dma_start3A_118 : memref<1x128xi32, #tpu.memory_space<vmem>> -> memref<128xi32, #tpu.memory_space<vmem>>
          %dma_start3A_120 = arith.constant 0 : i32
          %dma_start3A_121 = arith.constant 0 : i32
          %dma_start3A_122 = tpu.memref_slice %arg2[%dma_start3A_120, %dma_start3A_121] : memref<10000x128xf32, #tpu.memory_space<hbm>> -> memref<10000x128xf32, #tpu.memory_space<hbm>>
          tpu.enqueue_indirect_dma source(%dma_start3A_122 : memref<10000x128xf32, #tpu.memory_space<hbm>>) target(%arg9 : memref<128x128xf32, #tpu.memory_space<vmem>>) offsets(%dma_start3A_119 : memref<128xi32, #tpu.memory_space<vmem>>) semaphore(%arg12 : memref<!tpu.dma_semaphore, #tpu.memory_space<semaphore_mem>>)
          %scan3A_123 = arith.constant 0 : i32
          scf.yield %scan3A_123 : i32
        }
        %scan3A_71 = arith.constant 19 : i32
        %dma_wait3A = arith.constant 38 : i32
        %dma_wait3A_72 = arith.constant 0 : i32
        %dma_wait3A_73 = tpu.memref_slice %arg6[%dma_wait3A, %dma_wait3A_72] : memref<40x128xi32, #tpu.memory_space<vmem>> -> memref<1x128xi32, #tpu.memory_space<vmem>>
        %dma_wait3A_74 = tpu.memref_squeeze %dma_wait3A_73 : memref<1x128xi32, #tpu.memory_space<vmem>> -> memref<128xi32, #tpu.memory_space<vmem>>
        %dma_wait3A_75 = arith.constant 0 : i32
        %dma_wait3A_76 = arith.constant 0 : i32
        %dma_wait3A_77 = tpu.memref_slice %arg2[%dma_wait3A_75, %dma_wait3A_76] : memref<10000x128xf32, #tpu.memory_space<hbm>> -> memref<10000x128xf32, #tpu.memory_space<hbm>>
        tpu.wait_indirect_dma semaphore(%arg11 : memref<!tpu.dma_semaphore, #tpu.memory_space<semaphore_mem>>) src(%dma_wait3A_77 : memref<10000x128xf32, #tpu.memory_space<hbm>>) dst(%arg8 : memref<128x128xf32, #tpu.memory_space<vmem>>)
        %run_scoped3A = arith.constant 38 : i32
        "tpu.region"() ({
          %run_scoped3A_87 = tpu.sem_alloc : memref<!tpu.dma_semaphore, #tpu.memory_space<semaphore_mem>>
          %dma_start3A_88 = arith.constant 0 : i32
          %dma_start3A_89 = tpu.memref_slice %arg7[%run_scoped3A, %dma_start3A_88] : memref<40x128xi32, #tpu.memory_space<vmem>> -> memref<1x128xi32, #tpu.memory_space<vmem>>
          %dma_start3A_90 = tpu.memref_squeeze %dma_start3A_89 : memref<1x128xi32, #tpu.memory_space<vmem>> -> memref<128xi32, #tpu.memory_space<vmem>>
          %dma_start3A_91 = arith.constant 0 : i32
          %dma_start3A_92 = arith.constant 0 : i32
          %dma_start3A_93 = tpu.memref_slice %arg10[%dma_start3A_91, %dma_start3A_92] : memref<10496x128xf32, #tpu.memory_space<vmem_shared>> -> memref<10496x128xf32, #tpu.memory_space<vmem_shared>>
          tpu.enqueue_indirect_dma source(%arg8 : memref<128x128xf32, #tpu.memory_space<vmem>>) target(%dma_start3A_93 : memref<10496x128xf32, #tpu.memory_space<vmem_shared>>) offsets(%dma_start3A_90 : memref<128xi32, #tpu.memory_space<vmem>>) semaphore(%run_scoped3A_87 : memref<!tpu.dma_semaphore, #tpu.memory_space<semaphore_mem>>) {add = true}
          %dma_wait3A_94 = arith.constant 0 : i32
          %dma_wait3A_95 = tpu.memref_slice %arg7[%run_scoped3A, %dma_wait3A_94] : memref<40x128xi32, #tpu.memory_space<vmem>> -> memref<1x128xi32, #tpu.memory_space<vmem>>
          %dma_wait3A_96 = tpu.memref_squeeze %dma_wait3A_95 : memref<1x128xi32, #tpu.memory_space<vmem>> -> memref<128xi32, #tpu.memory_space<vmem>>
          %dma_wait3A_97 = arith.constant 0 : i32
          %dma_wait3A_98 = arith.constant 0 : i32
          %dma_wait3A_99 = tpu.memref_slice %arg10[%dma_wait3A_97, %dma_wait3A_98] : memref<10496x128xf32, #tpu.memory_space<vmem_shared>> -> memref<10496x128xf32, #tpu.memory_space<vmem_shared>>
          tpu.wait_indirect_dma semaphore(%run_scoped3A_87 : memref<!tpu.dma_semaphore, #tpu.memory_space<semaphore_mem>>) src(%arg8 : memref<128x128xf32, #tpu.memory_space<vmem>>) dst(%dma_wait3A_99 : memref<10496x128xf32, #tpu.memory_space<vmem_shared>>)
          tpu.yield
        }) : () -> ()
        %dma_wait3A_78 = arith.constant 39 : i32
        %dma_wait3A_79 = arith.constant 0 : i32
        %dma_wait3A_80 = tpu.memref_slice %arg6[%dma_wait3A_78, %dma_wait3A_79] : memref<40x128xi32, #tpu.memory_space<vmem>> -> memref<1x128xi32, #tpu.memory_space<vmem>>
        %dma_wait3A_81 = tpu.memref_squeeze %dma_wait3A_80 : memref<1x128xi32, #tpu.memory_space<vmem>> -> memref<128xi32, #tpu.memory_space<vmem>>
        %dma_wait3A_82 = arith.constant 0 : i32
        %dma_wait3A_83 = arith.constant 0 : i32
        %dma_wait3A_84 = tpu.memref_slice %arg2[%dma_wait3A_82, %dma_wait3A_83] : memref<10000x128xf32, #tpu.memory_space<hbm>> -> memref<10000x128xf32, #tpu.memory_space<hbm>>
        tpu.wait_indirect_dma semaphore(%arg12 : memref<!tpu.dma_semaphore, #tpu.memory_space<semaphore_mem>>) src(%dma_wait3A_84 : memref<10000x128xf32, #tpu.memory_space<hbm>>) dst(%arg9 : memref<128x128xf32, #tpu.memory_space<vmem>>)
        %run_scoped3A_85 = arith.constant 39 : i32
        "tpu.region"() ({
          %run_scoped3A_87 = tpu.sem_alloc : memref<!tpu.dma_semaphore, #tpu.memory_space<semaphore_mem>>
          %dma_start3A_88 = arith.constant 0 : i32
          %dma_start3A_89 = tpu.memref_slice %arg7[%run_scoped3A_85, %dma_start3A_88] : memref<40x128xi32, #tpu.memory_space<vmem>> -> memref<1x128xi32, #tpu.memory_space<vmem>>
          %dma_start3A_90 = tpu.memref_squeeze %dma_start3A_89 : memref<1x128xi32, #tpu.memory_space<vmem>> -> memref<128xi32, #tpu.memory_space<vmem>>
          %dma_start3A_91 = arith.constant 0 : i32
          %dma_start3A_92 = arith.constant 0 : i32
          %dma_start3A_93 = tpu.memref_slice %arg10[%dma_start3A_91, %dma_start3A_92] : memref<10496x128xf32, #tpu.memory_space<vmem_shared>> -> memref<10496x128xf32, #tpu.memory_space<vmem_shared>>
          tpu.enqueue_indirect_dma source(%arg9 : memref<128x128xf32, #tpu.memory_space<vmem>>) target(%dma_start3A_93 : memref<10496x128xf32, #tpu.memory_space<vmem_shared>>) offsets(%dma_start3A_90 : memref<128xi32, #tpu.memory_space<vmem>>) semaphore(%run_scoped3A_87 : memref<!tpu.dma_semaphore, #tpu.memory_space<semaphore_mem>>) {add = true}
          %dma_wait3A_94 = arith.constant 0 : i32
          %dma_wait3A_95 = tpu.memref_slice %arg7[%run_scoped3A_85, %dma_wait3A_94] : memref<40x128xi32, #tpu.memory_space<vmem>> -> memref<1x128xi32, #tpu.memory_space<vmem>>
          %dma_wait3A_96 = tpu.memref_squeeze %dma_wait3A_95 : memref<1x128xi32, #tpu.memory_space<vmem>> -> memref<128xi32, #tpu.memory_space<vmem>>
          %dma_wait3A_97 = arith.constant 0 : i32
          %dma_wait3A_98 = arith.constant 0 : i32
          %dma_wait3A_99 = tpu.memref_slice %arg10[%dma_wait3A_97, %dma_wait3A_98] : memref<10496x128xf32, #tpu.memory_space<vmem_shared>> -> memref<10496x128xf32, #tpu.memory_space<vmem_shared>>
          tpu.wait_indirect_dma semaphore(%run_scoped3A_87 : memref<!tpu.dma_semaphore, #tpu.memory_space<semaphore_mem>>) src(%arg9 : memref<128x128xf32, #tpu.memory_space<vmem>>) dst(%dma_wait3A_99 : memref<10496x128xf32, #tpu.memory_space<vmem_shared>>)
          tpu.yield
        }) : () -> ()
        %scan3A_86 = arith.constant 0 : i32
        scf.yield %scan3A_86 : i32
      }
      %scan3A_37 = arith.constant 2 : i32
      %barrier3A_38 = arith.constant 0 : index
      tpu.barrier barrier_id(%barrier3A_38)
      %mul3A_39 = arith.constant 656 : i32
      %mul3A_40 = arith.muli %arg1, %mul3A_39 : i32
      %mul3A_41 = arith.constant 656 : i32
      %mul3A_42 = arith.muli %arg1, %mul3A_41 : i32
      "tpu.region"() ({
        %run_scoped3A = tpu.sem_alloc : memref<!tpu.dma_semaphore, #tpu.memory_space<semaphore_mem>>
        %dma_start3A = arith.constant 0 : i32
        %dma_start3A_43 = tpu.memref_slice %arg5[%mul3A_42, %dma_start3A] : memref<10496x128xf32, #tpu.memory_space<hbm>> -> memref<656x128xf32, #tpu.memory_space<hbm>>
        %dma_start3A_44 = arith.constant 0 : i32
        %dma_start3A_45 = tpu.memref_slice %arg10[%mul3A_40, %dma_start3A_44] : memref<10496x128xf32, #tpu.memory_space<vmem_shared>> -> memref<656x128xf32, #tpu.memory_space<vmem_shared>>
        tpu.enqueue_dma source(%dma_start3A_45 : memref<656x128xf32, #tpu.memory_space<vmem_shared>>) target(%dma_start3A_43 : memref<656x128xf32, #tpu.memory_space<hbm>>) target_semaphore(%run_scoped3A : memref<!tpu.dma_semaphore, #tpu.memory_space<semaphore_mem>>)
        %dma_wait3A = arith.constant 0 : i32
        %dma_wait3A_46 = tpu.memref_slice %arg5[%mul3A_42, %dma_wait3A] : memref<10496x128xf32, #tpu.memory_space<hbm>> -> memref<656x128xf32, #tpu.memory_space<hbm>>
        %dma_wait3A_47 = arith.constant 0 : i32
        %dma_wait3A_48 = tpu.memref_slice %arg10[%mul3A_40, %dma_wait3A_47] : memref<10496x128xf32, #tpu.memory_space<vmem_shared>> -> memref<656x128xf32, #tpu.memory_space<vmem_shared>>
        tpu.wait_dma2 semaphore(%run_scoped3A : memref<!tpu.dma_semaphore, #tpu.memory_space<semaphore_mem>>) src(%dma_wait3A_48 : memref<656x128xf32, #tpu.memory_space<vmem_shared>>) dst(%dma_wait3A_46 : memref<656x128xf32, #tpu.memory_space<hbm>>)
        tpu.yield
      }) : () -> ()
    } else {
    }
    return
  }
}

module attributes {stable_mosaic.version = 14 : i64} {
  func.func @_mm_body(%arg0: i32, %arg1: memref<1000x128xf32, #tpu.memory_space<vmem>>, %arg2: memref<128x128xf32, #tpu.memory_space<vmem>>, %arg3: memref<1000x128xf32, #tpu.memory_space<vmem>>) attributes {dimension_semantics = [#tpu.dimension_semantics<arbitrary>], iteration_bounds = array<i64: 10>, scalar_prefetch = 0 : i64, scratch_operands = 0 : i64, tpu.core_type = #tpu.core_type<tc>, window_params = [{transform_indices = @transform_0, window_bounds = array<i64: 1000, 128>}, {pipeline_mode = #tpu.pipeline_mode<synchronous>, transform_indices = @transform_1, window_bounds = array<i64: 128, 128>}, {transform_indices = @transform_2, window_bounds = array<i64: 1000, 128>}]} {
    %get3A = arith.constant 0 : index
    %get3A_0 = arith.constant 0 : index
    %get3A_1 = vector.load %arg1[%get3A, %get3A_0] : memref<1000x128xf32, #tpu.memory_space<vmem>>, vector<1000x128xf32>
    %get3A_2 = arith.constant 0 : index
    %get3A_3 = arith.constant 0 : index
    %get3A_4 = vector.load %arg2[%get3A_2, %get3A_3] : memref<128x128xf32, #tpu.memory_space<vmem>>, vector<128x128xf32>
    %dot_general3A = arith.constant dense<0.000000e+00> : vector<1000x128xf32>
    %dot_general3A_5 = tpu.matmul %get3A_1, %get3A_4, %dot_general3A {dimension_numbers = #tpu.dot_dimension_numbers<[1], [0], [0], [1], [0, 0, 1, 1], [], []>, transpose_lhs_hint = false} : vector<1000x128xf32>, vector<128x128xf32>, vector<1000x128xf32> -> vector<1000x128xf32>
    %swap3A = arith.constant 0 : index
    %swap3A_6 = arith.constant 0 : index
    %swap3A_7 = vector.load %arg3[%swap3A, %swap3A_6] : memref<1000x128xf32, #tpu.memory_space<vmem>>, vector<1000x128xf32>
    tpu.vector_store %arg3[%swap3A, %swap3A_6], %dot_general3A_5 {strides = array<i32>} : memref<1000x128xf32, #tpu.memory_space<vmem>>, vector<1000x128xf32>,
    return
  }
  func.func @transform_0(%arg0: i32) -> (i32, i32) {
    %c0_i32 = arith.constant 0 : i32
    %c0_i32_0 = arith.constant 0 : i32
    return %arg0, %c0_i32 : i32, i32
  }
  func.func @transform_1(%arg0: i32) -> (i32, i32) {
    %c0_i32 = arith.constant 0 : i32
    %c0_i32_0 = arith.constant 0 : i32
    %c0_i32_1 = arith.constant 0 : i32
    return %c0_i32, %c0_i32_0 : i32, i32
  }
  func.func @transform_2(%arg0: i32) -> (i32, i32) {
    %c0_i32 = arith.constant 0 : i32
    %c0_i32_0 = arith.constant 0 : i32
    return %arg0, %c0_i32 : i32, i32
  }
}

module attributes {stable_mosaic.version = 14 : i64} {
  func.func @_fin_body(%arg0: i32, %arg1: memref<1000x128xf32, #tpu.memory_space<vmem>>, %arg2: memref<1000x128xf32, #tpu.memory_space<vmem>>, %arg3: memref<1x128xf32, #tpu.memory_space<vmem>>, %arg4: memref<1000x128xf32, #tpu.memory_space<vmem>>) attributes {dimension_semantics = [#tpu.dimension_semantics<arbitrary>], iteration_bounds = array<i64: 10>, scalar_prefetch = 0 : i64, scratch_operands = 0 : i64, tpu.core_type = #tpu.core_type<tc>, window_params = [{transform_indices = @transform_0, window_bounds = array<i64: 1000, 128>}, {transform_indices = @transform_1, window_bounds = array<i64: 1000, 128>}, {pipeline_mode = #tpu.pipeline_mode<synchronous>, transform_indices = @transform_2, window_bounds = array<i64: 1, 128>}, {transform_indices = @transform_3, window_bounds = array<i64: 1000, 128>}]} {
    %get3A = arith.constant 0 : index
    %get3A_0 = arith.constant 0 : index
    %get3A_1 = vector.load %arg1[%get3A, %get3A_0] : memref<1000x128xf32, #tpu.memory_space<vmem>>, vector<1000x128xf32>
    %get3A_2 = arith.constant 0 : index
    %get3A_3 = arith.constant 0 : index
    %get3A_4 = vector.load %arg2[%get3A_2, %get3A_3] : memref<1000x128xf32, #tpu.memory_space<vmem>>, vector<1000x128xf32>
    %add3A = arith.addf %get3A_1, %get3A_4 : vector<1000x128xf32>
    %get3A_5 = arith.constant 0 : index
    %get3A_6 = arith.constant 0 : index
    %get3A_7 = vector.load %arg3[%get3A_5, %get3A_6] : memref<1x128xf32, #tpu.memory_space<vmem>>, vector<1x128xf32>
    %add3A_8 = vector.broadcast %get3A_7 : vector<1x128xf32> to vector<1000x128xf32>
    %add3A_9 = arith.addf %add3A, %add3A_8 : vector<1000x128xf32>
    %max3A = arith.constant 0.000000e+00 : f32
    %max3A_10 = vector.broadcast %max3A : f32 to vector<1000x128xf32>
    %max3A_11 = arith.maximumf %add3A_9, %max3A_10 : vector<1000x128xf32>
    %swap3A = arith.constant 0 : index
    %swap3A_12 = arith.constant 0 : index
    %swap3A_13 = vector.load %arg4[%swap3A, %swap3A_12] : memref<1000x128xf32, #tpu.memory_space<vmem>>, vector<1000x128xf32>
    tpu.vector_store %arg4[%swap3A, %swap3A_12], %max3A_11 {strides = array<i32>} : memref<1000x128xf32, #tpu.memory_space<vmem>>, vector<1000x128xf32>,
    return
  }
  func.func @transform_0(%arg0: i32) -> (i32, i32) {
    %c0_i32 = arith.constant 0 : i32
    %c0_i32_0 = arith.constant 0 : i32
    return %arg0, %c0_i32 : i32, i32
  }
  func.func @transform_1(%arg0: i32) -> (i32, i32) {
    %c0_i32 = arith.constant 0 : i32
    %c0_i32_0 = arith.constant 0 : i32
    return %arg0, %c0_i32 : i32, i32
  }
  func.func @transform_2(%arg0: i32) -> (i32, i32) {
    %c0_i32 = arith.constant 0 : i32
    %c0_i32_0 = arith.constant 0 : i32
    %c0_i32_1 = arith.constant 0 : i32
    return %c0_i32, %c0_i32_0 : i32, i32
  }
  func.func @transform_3(%arg0: i32) -> (i32, i32) {
    %c0_i32 = arith.constant 0 : i32
    %c0_i32_0 = arith.constant 0 : i32
    return %arg0, %c0_i32 : i32, i32
  }
}

</mosaic_0001>

<sc_bundles>
// kernel: gather_offload_async_start.1
scs
__scs_entry_jumppad:
0x0: {  	(pc) =	sbr.rel $0x88, $3  }
0x1: {  	(tag) =	ssettag $0x0;
	lr =	simm.s32 $0x1  }
0x2: {  	[smem:$0x3F9D] =	sst lr;
	_ =	strace $0xD0000000  }
0x3: {  	_ = 	snop  }
0x4: {  	_ = 	snop  }
0x5: {  	_ = 	snop  }
0x6: {  	_ = 	snop  }
0x7: {  	_ = 	snop  }
__scs_overlays_trampoline_lowered:
0x8: {  	[smem:$0x3FAC] =	sst s0  }
0x9: {  	[smem:$0x3FAD] =	sst s1  }
0xa: {  	[smem:$0x3FAE] =	sst s2  }
0xb: {  	[smem:$0x3FAF] =	sst s3  }
0xc: {  	[smem:$0x3FB0] =	sst s4  }
0xd: {  	[smem:$0x3FB1] =	sst s5  }
0xe: {  	[smem:$0x3FB2] =	sst s6  }
0xf: {  	[smem:$0x3FB3] =	sst s7  }
0x10: {  	[smem:$0x3FB4] =	sst s8  }
0x11: {  	[smem:$0x3FB5] =	sst s9;
	s0 =	simm.s32 @!p0 $0x0  }
0x12: {  	s1 =	sld [smem:$0x3F9B];
	s0 =	simm.s32 @p0 $0x1  }
0x13: {  	[smem:$0x3FB6] =	sst s0;
	s0 =	simm.s32 @!p1 $0x0  }
0x14: {  	s2 =	sld [smem:$0x3F9A];
	s0 =	simm.s32 @p1 $0x1  }
0x15: {  	[smem:$0x3FB7] =	sst s0;
	s0 =	simm.s32 @!p2 $0x0  }
0x16: {  	s3 =	sld [smem:$0x3FDB];
	s0 =	simm.s32 @p2 $0x1  }
0x17: {  	s4 =	simm.s32 $0x1BF5;
	[smem:$0x3FB9] =	sst s0  }
0x18: {  	s0 =	sld [smem:$0x3F9C];
	_ =	swait.ge [sflag:s4], $0x0  }
0x19: {  	s7 =	sld [smem:$0x3F9D]  }
0x1a: {  	s8 =	sadd.s32 $0xFFFFE003, lr  }
0x1b: {  	s9 =	sadd.s32 $0xFFFFFEF7, lr;
	s5 =	simm.s32 $0xFFFFFFFF;
	p2 =	slt.u32 s8, $0xFFFFF086  }
0x1c: {  	p1 =	slt.u32 s9, $0xF7A;
	s5 =	simm.s32 @!p2 $0x0  }
0x1d: {  	s5 =	simm.s32 @p1 $0x1;
	p0 =	seq.s32 s7, s2  }
0x1e: {  	s7 =	smul.u32 @!p0 $0xF7A, s2;
	p2 =	seq.s32 @!p0 s5, $0x0  }
0x1f: {  	s9 =	smul.u32 $0xF7A, s1;
	s8 =	simm.s32 @!p0 $0x1BF5;
	p2 =	por !p2, p0  }
0x20: {  	[sflag:s8] =	ssyncset.s32 @!p0 $0xFFFFF086;
	s6 =	sadd.s32 @!p0 s3, s7;
	s7 =	simm.s32 @!p0 $0x108  }
0x21: {  	s3 =	sadd.s32 s3, s9;
	s6 =	sadd.s32 @!p0 $0x88, s6;
	s7 =	simm.s32 @p2 $0x1082  }
0x22: {  	[simem:s7], [sflag:s8] =	dma.local @!p0 [hbm:s6], $0xF7A  }
0x23: {  	s9 =	sor.u32 $0xD0000000, s2;
	s6 =	simm.s32 $0x108;
	_ =	swait.ge @!p0 [sflag:s8], $0x0  }
0x24: {  	s3 =	sadd.s32 $0x88, s3;
	s6 =	simm.s32 @!p1 $0x1082;
	[sflag:s4] =	ssyncset.s32 $0xFFFFF086  }
0x25: {  	[simem:s6], [sflag:s4] =	dma.local [hbm:s3], $0xF7A  }
0x26: {  	[smem:$0x3F9D] =	sst s1;
	(tag) =	ssettag s2;
	_ =	strace s9  }
0x27: {  	s1 =	sld [smem:$0x3FAD]  }
0x28: {  	s2 =	sld [smem:$0x3FAE]  }
0x29: {  	s4 =	sld [smem:$0x3FB0]  }
0x2a: {  	p0 =	seq.s32 s5, $0x0;
	s5 =	sld [smem:$0x3FB1]  }
0x2b: {  	s6 =	sld [smem:$0x3FB2]  }
0x2c: {  	s7 =	sld [smem:$0x3FB3]  }
0x2d: {  	s3 =	simm.s32 $0x108;
	s8 =	sld [smem:$0x3FB4]  }
0x2e: {  	s3 =	simm.s32 @!p0 $0x1082;
	s9 =	sld [smem:$0x3FB5]  }
0x2f: {  	lr =	sadd.s32 s0, s3;
	s0 =	sld [smem:$0x3FAC]  }
0x30: {  	s3 =	sld [smem:$0x3FAF]  }
0x31: {  	[smem:$0x3FB8] =	sst s10  }
0x32: {  	s10 =	sld [smem:$0x3FB6];
	_ =	sdelay $0x3  }
0x33: {  	p0 =	seq.s32 s10, $0x1;
	s10 =	sld [smem:$0x3FB8];
	_ =	sdelay $0x3  }
0x34: {  	[smem:$0x3FB8] =	sst s10  }
0x35: {  	s10 =	sld [smem:$0x3FB7];
	_ =	sdelay $0x3  }
0x36: {  	p1 =	seq.s32 s10, $0x1;
	s10 =	sld [smem:$0x3FB8];
	_ =	sdelay $0x3  }
0x37: {  	[smem:$0x3FB8] =	sst s10  }
0x38: {  	s10 =	sld [smem:$0x3FB9]  }
0x39: {  	_ = 	snop;
	(pc) =	sbr.ind lr, $3  }
0x3a: {  	_ = 	snop  }
0x3b: {  	_ = 	snop  }
0x3c: {  	p2 =	seq.s32 s10, $0x1;
	s10 =	sld [smem:$0x3FB8]  }
0x3d: {  	_ =	shalt  }
0x3e: {  	_ =	shalt  }
0x3f: {  	_ =	shalt  }
0x40: {  	_ =	shalt  }
0x41: {  	_ =	shalt  }
0x42: {  	_ =	shalt  }
0x43: {  	_ =	shalt  }
0x44: {  	_ =	shalt  }
0x45: {  	_ =	shalt  }
0x46: {  	_ =	shalt  }
0x47: {  	_ =	shalt  }
0x48: {  	_ =	shalt  }
0x49: {  	_ =	shalt  }
0x4a: {  	_ =	shalt  }
0x4b: {  	_ =	shalt  }
0x4c: {  	_ =	shalt  }
0x4d: {  	_ =	shalt  }
0x4e: {  	_ =	shalt  }
0x4f: {  	_ =	shalt  }
0x50: {  	_ =	shalt  }
0x51: {  	_ =	shalt  }
0x52: {  	_ =	shalt  }
0x53: {  	_ =	shalt  }
0x54: {  	_ =	shalt  }
0x55: {  	_ =	shalt  }
0x56: {  	_ =	shalt  }
0x57: {  	_ =	shalt  }
0x58: {  	_ =	shalt  }
0x59: {  	_ =	shalt  }
0x5a: {  	_ =	shalt  }
0x5b: {  	_ =	shalt  }
0x5c: {  	_ =	shalt  }
0x5d: {  	_ =	shalt  }
0x5e: {  	_ =	shalt  }
0x5f: {  	_ =	shalt  }
0x60: {  	_ =	shalt  }
0x61: {  	_ =	shalt  }
0x62: {  	_ =	shalt  }
0x63: {  	_ =	shalt  }
0x64: {  	_ =	shalt  }
0x65: {  	_ =	shalt  }
0x66: {  	_ =	shalt  }
0x67: {  	_ =	shalt  }
0x68: {  	_ =	shalt  }
0x69: {  	_ =	shalt  }
0x6a: {  	_ =	shalt  }
0x6b: {  	_ =	shalt  }
0x6c: {  	_ =	shalt  }
0x6d: {  	_ =	shalt  }
0x6e: {  	_ =	shalt  }
0x6f: {  	_ =	shalt  }
0x70: {  	_ =	shalt  }
0x71: {  	_ =	shalt  }
0x72: {  	_ =	shalt  }
0x73: {  	_ =	shalt  }
0x74: {  	_ =	shalt  }
0x75: {  	_ =	shalt  }
0x76: {  	_ =	shalt  }
0x77: {  	_ =	shalt  }
0x78: {  	_ =	shalt  }
0x79: {  	_ =	shalt  }
0x7a: {  	_ =	shalt  }
0x7b: {  	_ =	shalt  }
0x7c: {  	_ =	shalt  }
0x7d: {  	_ =	shalt  }
0x7e: {  	_ =	shalt  }
0x7f: {  	_ =	shalt  }
0x80: {  	_ =	shalt  }
0x81: {  	_ =	shalt  }
0x82: {  	_ =	shalt  }
0x83: {  	_ =	shalt  }
0x84: {  	_ =	shalt  }
0x85: {  	_ =	shalt  }
0x86: {  	_ =	shalt  }
0x87: {  	_ =	shalt  }
.Lfunc_end0:
.L_simem_size_0:
called_computation.1_lowered:
.L_overlay_start_0:
0x88: {  	s2 =	sld [smem:$0x3FD9]  }
0x89: {  	s3 =	sld [smem:$0x3FFE];
	_ =	sdelay $0x1  }
0x8a: {  	s1 =	srdreg.scid  }
0x8b: {  	s0 =	sand.u32 $0x1, s1  }
0x8c: {  	s16 =	sshll.u32 s0, $0xA;
	s2 =	sadd.s32 s3, s2  }
0x8d: {  	s2 =	sadd.s32 s2, s16  }
0x8e: {  	[smem:$0x3FC4] =	sst s2  }
0x8f: {  	_ = 	snop  }
0x90: {  	(tm) =	ssettm $0x1  }
0x91: {  	s17 =	sld [smem:$0x3FFB];
	_ =	sdelay $0x3  }
0x92: {  	_ =	strace s17  }
0x93: {  	s2 =	sld [smem:$0x3FFC];
	_ =	sdelay $0x3  }
0x94: {  	_ =	strace s2  }
0x95: {  	s2 =	sld [smem:$0x3FFD];
	_ =	sdelay $0x3  }
0x96: {  	_ =	strace s2  }
0x97: {  	_ =	strace $0x8FFFFFFF  }
0x98: {  	s18 =	sld [smem:$0x3FDB];
	_ =	sdelay $0x1  }
0x99: {  	s19 =	simm.s32 $_scs_section_size  }
0x9a: {  	s4 =	simm.s32 $_size__tile_overlayer_lowered;
	s5 =	simm.s32 $_tile_overlayer_lowered  }
0x9b: {  	s22 =	simm.s32 $0x1BFF;
	s21 =	sshll.u32 s5, $0x1;
	s2 =	sadd.s32 s19, s18  }
0x9c: {  	s6 =	simm.s32 $0x0;
	s20 =	sshll.u32 s4, $0x1;
	s4 =	sadd.s32 s21, s2  }
0x9d: {  	[timem:s6], [sflag:s22] =	dma.local [hbm:s4], s20  }
0x9e: {  	_ =	swait.ge [sflag:s22], s20  }
0x9f: {  	s3 =	ssub.s32 $0x0, s20;
	[sflag:s22] =	ssyncset.done $0x0  }
0xa0: {  	[sflag:s22] =	ssyncadd.s32 s3;
	_ =	sdelay $0x1  }
0xa1: {  	s23 =	simm.s32 $0x1B8B  }
0xa2: {  	_ =	swait.ge [sflag:s23], $0x1  }
0xa3: {  	[sflag:s23] =	ssyncset.done $0x0  }
0xa4: {  	s25 =	simm.s32 $0x1B8E;
	s24 =	sld [smem:$0x3FFE];
	[sflag:s23] =	ssyncadd.s32 $0xFFFFFFFF  }
0xa5: {  	s26 =	simm.s32 $execute0_lowered;
	[smem:$0x3FD2] =	sst s25  }
0xa6: {  	s4 =	sshll.u32 s26, $0x1;
	_ =	strace $0x80000046;
	[dreg:$0x1] =	wrdreg $0xFFFFFFFF  }
0xa7: {  	s28 =	simm.s32 $_size_execute0_lowered;
	s2 =	sadd.s32 s2, s4;
	[dreg:$0x0] =	wrdreg $0x0  }
0xa8: {  	s4 =	sshll.u32 s28, $0x1;
	[dreg:$0x2] =	wrdreg s2  }
0xa9: {  	[dreg:$0x3] =	wrdreg s4  }
0xaa: {  	[dreg:$0x4] =	wrdreg $0xC0  }
0xab: {  	_ =	task [dreg:s6], $0x5FFFF  }
0xac: {  	[dreg:$0x1] =	wrdreg $0xFFFFFFFF  }
0xad: {  	[dreg:$0x0] =	wrdreg $0x60  }
0xae: {  	[dreg:$0x2] =	wrdreg s24  }
0xaf: {  	[dreg:$0x3] =	wrdreg $0xA  }
0xb0: {  	_ =	task.clear_ibuf [dreg:s6], $0x4FFFF;
	_ =	strace $0x90000046  }
0xb1: {  	s29 =	simm.s32 $0xA;
	_ =	strace $0x80000048  }
0xb2: {  	_ =	swait.ge [sflag:s29], $0x1  }
0xb3: {  	[sflag:s29] =	ssyncadd.s32 $0xFFFFFFFF  }
0xb4: {  	_ =	strace $0x90000048  }
0xb5: {  	_ =	sfence  }
0xb6: {  	s30 =	sld [smem:$0x0];
	_ =	sdelay $0x2  }
0xb7: {  	s31 =	sshll.u32 s1, $0xD;
	s1 =	sshrl.u32 s1, $0x2  }
0xb8: {  	s3 =	sand.u32 $0x4000, s31;
	s1 =	sadd.s32 s1, s30  }
0xb9: {  	s0 =	sor.u32 s3, s0;
	s1 =	sshll.u32 s1, $0x11  }
0xba: {  	s0 =	sor.u32 s1, s0  }
0xbb: {  	s0 =	sadd.s32 $0x8F2B, s0  }
0xbc: {  	[sflag:s0] =	ssyncadd.remote.s32 $0x1  }
0xbd: {  	_ =	sfence.sel $0xFFFF  }
0xbe: {  	[dreg:$0x0] =	wrdreg $0xFFFFFFFF;
	(pc) =	sbr.abs _section_cstart, $3  }
0xbf: {  	[dreg:$0x1] =	wrdreg $0xFFFFFFFF  }
0xc0: {  	_ =	task.clear_ibuf [dreg:s6], $0x2FFFF;
	_ =	strace $0x9FFFFFFF  }
0xc1: {  	(tm) =	ssettm $0x7FFFFFFF  }
tec
execute0_lowered:
.L_overlay_start_1:
0x0: {  	(tag) =	ssettag $0x1  }
0x1: {  	s0 =	srdreg.scid;
	s5 =	rddreg [dreg:$0x0]  }
0x2: {  	s1 =	stileid.u32;
	s6 =	simm.s32 $0x1;
	s9 =	simm.s32 $0x1  }
0x3: {  	s10 =	simm.s32 $0x3;
	s13 =	simm.s32 $0x0;
	s2 =	sshll.u32 s0, $0xD  }
0x4: {  	s12 =	simm.s32 $0x0;
	s3 =	sshll.u32 s1, $0xE;
	s2 =	sand.u32 $0x2000, s2  }
0x5: {  	s0 =	rddreg [dreg:$0x1];
	_ =	strace $0x80000047;
	s2 =	sor.u32 s3, s2  }
0x6: {  	s4 =	sadd.s32 $0x15A00, s5;
	[sflag:s6] =	ssyncpa.u1 $0x0;
	s8 =	ssub.s32 $0x50000, s2  }
.Ltmp0:
0x7: {  	s3 =	sadd.s32 $0xBA00, s5;
	s7 =	sand.u32 $0x3E000, s8;
	(pc) =	sbr.rel .LBB2_1-.Ltmp0, $4  }
0x8: {  	s5 =	sadd.s32 $0x1FA00, s5;
	s11 =	smov.u32 s2;
	p0 =	sne.s32 s7, $0x0  }
0x9: {  	s8 =	sshrl.u32 s8, $0x12;
	s7 =	simm.s32 $0x2;
	s9 =	simm.s32 @!p0 $0x0  }
0xa: {  	[sflag:s7] =	ssyncpa.u1 $0x0;
	p0 =	por $0x0, $0x0;
	s8 =	sadd.s32 s9, s8  }
0xb: {  	vm0 =	vmmov $0xffff;
	[sflag:s10] =	ssyncpa.u1 $0x0;
	s10 =	simm.s32 $0x0;
	s9 =	sadd.s32 $0x1, s8  }
.LBB2_4:
0xc: {  	v2 =	vnsel vm1, $0x0, v2  }
0xd: {  	vm1 =	vgt.s32 v0, $0x0;
	v2 =	vmin.u32 v2, $0x4FFFF  }
0xe: {  	v0 =	vnsel vm1, $0x0, v0  }
0xf: {  	v0 =	vmin.u32 v0, $0x4FFFF  }
0x10: {  	[tilespmem:s15], [sflag:$0x1] =	stream.indirect_vreg.gather [hbm4b:s3+s10], $0x1, v1, vm0, $0x4038;
	[tilespmem:$0x8000] =	vst v63  }
0x11: {  	(ifvalue) =	ssetifvalue $0x7FFFFFFF  }
0x12: {  	[tilespmem:s16], [sflag:$0x1] =	stream.indirect_vreg.gather [hbm4b:s3+s10], $0x1, v2, vm0, $0x4038;
	[tilespmem:$0x8000] =	vst v63  }
0x13: {  	s29 =	sadd.s32 $0x10, s16;
	(ifvalue) =	ssetifvalue $0x7FFFFFFF  }
0x14: {  	[tilespmem:s29], [sflag:$0x1] =	stream.indirect_vreg.gather [hbm4b:s3+s10], $0x1, v0, vm0, $0x4038;
	[tilespmem:$0x8000] =	vst v63  }
0x15: {  	_ =	swait.ge [sflag:s6], $0x2000  }
0x16: {  	s30 =	sshrl.u32 s13, $0x3;
	[sflag:s6] =	ssyncset.done $0x0  }
0x17: {  	s31 =	sand.u32 $0x7, s13;
	s15 =	sadd.s32 s5, s30;
	[sflag:s6] =	ssyncadd.s32 $0xFFFFE000  }
0x18: {  	[hbm4b:s15+s31] =	stream.linear.scatter [tilespmem:s14], [sflag:$0x3], $0x2000, $0x38;
	[tilespmem:$0x8000] =	vst v63  }
.LBB2_5:
0x19: {  	s15 =	sadd.s32 $0x40000, s11  }
0x1a: {  	p2 =	sgt.s32 s15, $0x4FFFF  }
0x1b: {  	s15 =	smov.u32 @p2 s2;
	p2 =	sne.s32 s12, s9  }
.Ltmp1:
0x1c: {  	p1 =	slt.u32 s12, $0x2;
	(pc) =	sbr.rel @!p2 .LBB2_6-.Ltmp1, $4  }
0x1d: {  	s14 =	simm.s32 @!p1 $0x3  }
0x1e: {  	s16 =	sadd.s32 $0x1, s12;
	_ =	swait.ge @!p1 [sflag:s14], $0x2000  }
0x1f: {  	s13 =	smov.u32 s11;
	p0 =	por !p0, !p0;
	[sflag:s14] =	ssyncset.done @!p1 $0x0  }
0x20: {  	s12 =	smov.u32 s16;
	s11 =	smov.u32 s15;
	[sflag:s14] =	ssyncadd.s32 @!p1 $0xFFFFE000  }
.LBB2_1:
0x21: {  	p1 =	sge.u32 s12, s8  }
0x22: {  	s14 =	sxor.u32 @!p1 $0xFFFFFFFF, s12  }
0x23: {  	s31 =	sadd.s32 $0xFFFFFFFF, s12;
	s15 =	sshrl.u32 @!p1 s11, $0x3;
	s14 =	sshll.u32 @!p1 s14, $0xD  }
0x24: {  	s16 =	sand.u32 @!p1 $0x7, s11;
	s15 =	sadd.s32 @!p1 s4, s15;
	s14 =	sand.u32 @!p1 $0x2000, s14  }
0x25: {  	[tilespmem:s14], [sflag:$0x2] =	stream.linear.gather @!p1 [hbm4b:s15+s16], $0x2000, $0x38;
	[tilespmem:$0x8000] =	vst v63  }
0x26: {  	p1 =	sge.u32 s31, s8  }
.Ltmp2:
0x27: {  	_ = 	snop;
	(pc) =	sbr.rel @p1 .LBB2_5-.Ltmp2, $1  }
0x28: {  	_ =	sdelay $0x3  }
0x29: {  	s14 =	simm.s32 $0x1  }
0x2a: {  	_ =	swait.ge [sflag:s7], $0x2000;
	s14 =	simm.s32 @!p0 $0x0  }
0x2b: {  	[sflag:s7] =	ssyncset.done $0x0;
	s14 =	sshll.u32 s14, $0xD  }
0x2c: {  	[sflag:s7] =	ssyncadd.s32 $0xFFFFE000;
	(ifvalue) =	ssetifvalue $0x7FFFFFFF;
	v0 =	vld.msk [tilespmem:s14+$0x0 ss:$0x1], $0xffff;
	_ =	sdelay $0x4  }
0x2d: {  	s15 =	sadd.s32 $0x10, s14;
	vm1 =	vgt.s32 v0, $0x0  }
0x2e: {  	v2 =	vld.msk [tilespmem:s15+$0x0 ss:$0x1], $0xffff;
	v1 =	vnsel vm1, $0x0, v0  }
0x2f: {  	v1 =	vmin.u32 v1, $0x4FFFF;
	_ =	sdelay $0x1  }
0x30: {  	s16 =	sshll.u32 s12, $0xD;
	s18 =	simm.s32 $0x20  }
0x31: {  	s16 =	sand.u32 $0x2000, s16;
	s17 =	sadd.s32 $0x10, s15;
	s15 =	sor.u32 $0x4000, s14  }
0x32: {  	s14 =	sor.u32 $0x4000, s16;
	s16 =	sadd.s32 $0x10, s15;
	v0 =	vld.msk [tilespmem:s17+$0x0 ss:$0x1], $0xffff;
	vm1 =	vgt.s32 v2, $0x0;
	(ifvalue) =	ssetifvalue $0x7FFFFFFF  }
.LBB2_3:
0x33: {  	[tilespmem:s15], [sflag:$0x1] =	stream.indirect_vreg.gather [hbm4b:s3+s10], $0x1, v1, vm0, $0x4038;
	[tilespmem:$0x8000] =	vst v63  }
0x34: {  	s18 =	sadd.s32 $0x10, s18  }
0x35: {  	v2 =	vnsel vm1, $0x0, v2;
	p1 =	slt.u32 s18, $0x1FF0  }
.Ltmp3:
0x36: {  	s15 =	smov.u32 s16;
	v1 =	vmin.u32 v2, $0x4FFFF;
	(pc) =	sbr.rel @p1 .LBB2_3-.Ltmp3, $3  }
0x37: {  	_ =	sdelay $0x1  }
0x38: {  	s17 =	sadd.s32 $0x10, s17  }
0x39: {  	vm1 =	vgt.s32 v0, $0x0;
	s16 =	sadd.s32 $0x10, s16;
	v2 =	vmov v0;
	(ifvalue) =	ssetifvalue $0x7FFFFFFF;
	v0 =	vld.msk [tilespmem:s17+$0x0 ss:$0x1], $0xffff  }
.Ltmp4:
0x3a: {  	_ = 	snop;
	(pc) =	sbr.rel .LBB2_4-.Ltmp4, $1  }
0x3b: {  	_ =	sdelay $0x3  }
.LBB2_6:
0x3c: {  	_ =	sfence.sel $0x180000  }
0x3d: {  	s2 =	simm.s32 $0x2;
	[bflag:$0x0] =	sbarrier.arrive $0xFFFF  }
0x3e: {  	s30 =	simm.s32 $0x3;
	[sflag:s2] =	ssyncpa.u1 $0x1  }
0x3f: {  	s31 =	simm.s32 $0x1;
	[sflag:s30] =	ssyncpa.u1 $0x1  }
0x40: {  	[sflag:s31] =	ssyncpa.u1 $0x1  }
0x41: {  	p0 =	sne.s32 s1, $0x0;
	_ =	strace $0x90000047  }
0x42: {  	s0 =	sadd.s32 @!p0 $0x100000, s0;
	[bflag:$0x2] =	sbarrier.arrive $0xFFFF  }
0x43: {  	[sflag:s0] =	ssyncadd.tile.s32 @!p0 $0x1;
	_ =	shalt  }
.Lfunc_end2:
_tile_overlayer_lowered:
.L_overlay_start_2:
0x44: {  	(tag) =	ssettag $0x2  }
0x45: {  	s0 =	rddreg [dreg:$0x0];
	s2 =	stileid.u32  }
0x46: {  	s1 =	rddreg [dreg:$0x1];
	p0 =	sne.s32 s2, $0x0  }
0x47: {  	s3 =	rddreg [dreg:$0x2];
	[bflag:$0x3] =	sbarrier.arrive $0xFFFF;
	s2 =	simm.s32 @!p0 $0x1C01  }
0x48: {  	[timem:s3], [sflag:s2] =	dma.local @!p0 [hbm:s0], s1  }
0x49: {  	s0 =	simm.s32 @!p0 $0x1  }
0x4a: {  	_ =	swait.ge @!p0 [sflag:s0], s1  }
0x4b: {  	s1 =	ssub.s32 @!p0 $0x0, s1;
	[sflag:s0] =	ssyncset.done @!p0 $0x0  }
0x4c: {  	[sflag:s0] =	ssyncadd.s32 @!p0 s1  }
0x4d: {  	[bflag:$0x3] =	sbarrier.arrive $0xFFFF  }
0x4e: {  	_ =	shalt  }

// kernel: gather_offload_async_start
scs
__scs_entry_jumppad:
0x0: {  	(pc) =	sbr.rel $0x88, $3  }
0x1: {  	(tag) =	ssettag $0x0;
	lr =	simm.s32 $0x1  }
0x2: {  	[smem:$0x3F9D] =	sst lr;
	_ =	strace $0xD0000000  }
0x3: {  	_ = 	snop  }
0x4: {  	_ = 	snop  }
0x5: {  	_ = 	snop  }
0x6: {  	_ = 	snop  }
0x7: {  	_ = 	snop  }
__scs_overlays_trampoline_lowered:
0x8: {  	[smem:$0x3FAC] =	sst s0  }
0x9: {  	[smem:$0x3FAD] =	sst s1  }
0xa: {  	[smem:$0x3FAE] =	sst s2  }
0xb: {  	[smem:$0x3FAF] =	sst s3  }
0xc: {  	[smem:$0x3FB0] =	sst s4  }
0xd: {  	[smem:$0x3FB1] =	sst s5  }
0xe: {  	[smem:$0x3FB2] =	sst s6  }
0xf: {  	[smem:$0x3FB3] =	sst s7  }
0x10: {  	[smem:$0x3FB4] =	sst s8  }
0x11: {  	[smem:$0x3FB5] =	sst s9;
	s0 =	simm.s32 @!p0 $0x0  }
0x12: {  	s1 =	sld [smem:$0x3F9B];
	s0 =	simm.s32 @p0 $0x1  }
0x13: {  	[smem:$0x3FB6] =	sst s0;
	s0 =	simm.s32 @!p1 $0x0  }
0x14: {  	s2 =	sld [smem:$0x3F9A];
	s0 =	simm.s32 @p1 $0x1  }
0x15: {  	[smem:$0x3FB7] =	sst s0;
	s0 =	simm.s32 @!p2 $0x0  }
0x16: {  	s3 =	sld [smem:$0x3FDB];
	s0 =	simm.s32 @p2 $0x1  }
0x17: {  	s4 =	simm.s32 $0x1BF5;
	[smem:$0x3FB9] =	sst s0  }
0x18: {  	s0 =	sld [smem:$0x3F9C];
	_ =	swait.ge [sflag:s4], $0x0  }
0x19: {  	s7 =	sld [smem:$0x3F9D]  }
0x1a: {  	s8 =	sadd.s32 $0xFFFFE003, lr  }
0x1b: {  	s9 =	sadd.s32 $0xFFFFFEF7, lr;
	s5 =	simm.s32 $0xFFFFFFFF;
	p2 =	slt.u32 s8, $0xFFFFF086  }
0x1c: {  	p1 =	slt.u32 s9, $0xF7A;
	s5 =	simm.s32 @!p2 $0x0  }
0x1d: {  	s5 =	simm.s32 @p1 $0x1;
	p0 =	seq.s32 s7, s2  }
0x1e: {  	s7 =	smul.u32 @!p0 $0xF7A, s2;
	p2 =	seq.s32 @!p0 s5, $0x0  }
0x1f: {  	s9 =	smul.u32 $0xF7A, s1;
	s8 =	simm.s32 @!p0 $0x1BF5;
	p2 =	por !p2, p0  }
0x20: {  	[sflag:s8] =	ssyncset.s32 @!p0 $0xFFFFF086;
	s6 =	sadd.s32 @!p0 s3, s7;
	s7 =	simm.s32 @!p0 $0x108  }
0x21: {  	s3 =	sadd.s32 s3, s9;
	s6 =	sadd.s32 @!p0 $0x88, s6;
	s7 =	simm.s32 @p2 $0x1082  }
0x22: {  	[simem:s7], [sflag:s8] =	dma.local @!p0 [hbm:s6], $0xF7A  }
0x23: {  	s9 =	sor.u32 $0xD0000000, s2;
	s6 =	simm.s32 $0x108;
	_ =	swait.ge @!p0 [sflag:s8], $0x0  }
0x24: {  	s3 =	sadd.s32 $0x88, s3;
	s6 =	simm.s32 @!p1 $0x1082;
	[sflag:s4] =	ssyncset.s32 $0xFFFFF086  }
0x25: {  	[simem:s6], [sflag:s4] =	dma.local [hbm:s3], $0xF7A  }
0x26: {  	[smem:$0x3F9D] =	sst s1;
	(tag) =	ssettag s2;
	_ =	strace s9  }
0x27: {  	s1 =	sld [smem:$0x3FAD]  }
0x28: {  	s2 =	sld [smem:$0x3FAE]  }
0x29: {  	s4 =	sld [smem:$0x3FB0]  }
0x2a: {  	p0 =	seq.s32 s5, $0x0;
	s5 =	sld [smem:$0x3FB1]  }
0x2b: {  	s6 =	sld [smem:$0x3FB2]  }
0x2c: {  	s7 =	sld [smem:$0x3FB3]  }
0x2d: {  	s3 =	simm.s32 $0x108;
	s8 =	sld [smem:$0x3FB4]  }
0x2e: {  	s3 =	simm.s32 @!p0 $0x1082;
	s9 =	sld [smem:$0x3FB5]  }
0x2f: {  	lr =	sadd.s32 s0, s3;
	s0 =	sld [smem:$0x3FAC]  }
0x30: {  	s3 =	sld [smem:$0x3FAF]  }
0x31: {  	[smem:$0x3FB8] =	sst s10  }
0x32: {  	s10 =	sld [smem:$0x3FB6];
	_ =	sdelay $0x3  }
0x33: {  	p0 =	seq.s32 s10, $0x1;
	s10 =	sld [smem:$0x3FB8];
	_ =	sdelay $0x3  }
0x34: {  	[smem:$0x3FB8] =	sst s10  }
0x35: {  	s10 =	sld [smem:$0x3FB7];
	_ =	sdelay $0x3  }
0x36: {  	p1 =	seq.s32 s10, $0x1;
	s10 =	sld [smem:$0x3FB8];
	_ =	sdelay $0x3  }
0x37: {  	[smem:$0x3FB8] =	sst s10  }
0x38: {  	s10 =	sld [smem:$0x3FB9]  }
0x39: {  	_ = 	snop;
	(pc) =	sbr.ind lr, $3  }
0x3a: {  	_ = 	snop  }
0x3b: {  	_ = 	snop  }
0x3c: {  	p2 =	seq.s32 s10, $0x1;
	s10 =	sld [smem:$0x3FB8]  }
0x3d: {  	_ =	shalt  }
0x3e: {  	_ =	shalt  }
0x3f: {  	_ =	shalt  }
0x40: {  	_ =	shalt  }
0x41: {  	_ =	shalt  }
0x42: {  	_ =	shalt  }
0x43: {  	_ =	shalt  }
0x44: {  	_ =	shalt  }
0x45: {  	_ =	shalt  }
0x46: {  	_ =	shalt  }
0x47: {  	_ =	shalt  }
0x48: {  	_ =	shalt  }
0x49: {  	_ =	shalt  }
0x4a: {  	_ =	shalt  }
0x4b: {  	_ =	shalt  }
0x4c: {  	_ =	shalt  }
0x4d: {  	_ =	shalt  }
0x4e: {  	_ =	shalt  }
0x4f: {  	_ =	shalt  }
0x50: {  	_ =	shalt  }
0x51: {  	_ =	shalt  }
0x52: {  	_ =	shalt  }
0x53: {  	_ =	shalt  }
0x54: {  	_ =	shalt  }
0x55: {  	_ =	shalt  }
0x56: {  	_ =	shalt  }
0x57: {  	_ =	shalt  }
0x58: {  	_ =	shalt  }
0x59: {  	_ =	shalt  }
0x5a: {  	_ =	shalt  }
0x5b: {  	_ =	shalt  }
0x5c: {  	_ =	shalt  }
0x5d: {  	_ =	shalt  }
0x5e: {  	_ =	shalt  }
0x5f: {  	_ =	shalt  }
0x60: {  	_ =	shalt  }
0x61: {  	_ =	shalt  }
0x62: {  	_ =	shalt  }
0x63: {  	_ =	shalt  }
0x64: {  	_ =	shalt  }
0x65: {  	_ =	shalt  }
0x66: {  	_ =	shalt  }
0x67: {  	_ =	shalt  }
0x68: {  	_ =	shalt  }
0x69: {  	_ =	shalt  }
0x6a: {  	_ =	shalt  }
0x6b: {  	_ =	shalt  }
0x6c: {  	_ =	shalt  }
0x6d: {  	_ =	shalt  }
0x6e: {  	_ =	shalt  }
0x6f: {  	_ =	shalt  }
0x70: {  	_ =	shalt  }
0x71: {  	_ =	shalt  }
0x72: {  	_ =	shalt  }
0x73: {  	_ =	shalt  }
0x74: {  	_ =	shalt  }
0x75: {  	_ =	shalt  }
0x76: {  	_ =	shalt  }
0x77: {  	_ =	shalt  }
0x78: {  	_ =	shalt  }
0x79: {  	_ =	shalt  }
0x7a: {  	_ =	shalt  }
0x7b: {  	_ =	shalt  }
0x7c: {  	_ =	shalt  }
0x7d: {  	_ =	shalt  }
0x7e: {  	_ =	shalt  }
0x7f: {  	_ =	shalt  }
0x80: {  	_ =	shalt  }
0x81: {  	_ =	shalt  }
0x82: {  	_ =	shalt  }
0x83: {  	_ =	shalt  }
0x84: {  	_ =	shalt  }
0x85: {  	_ =	shalt  }
0x86: {  	_ =	shalt  }
0x87: {  	_ =	shalt  }
.Lfunc_end0:
.L_simem_size_0:
called_computation_lowered:
.L_overlay_start_0:
0x88: {  	s2 =	sld [smem:$0x3FD9]  }
0x89: {  	s3 =	sld [smem:$0x3FFE];
	_ =	sdelay $0x1  }
0x8a: {  	s1 =	srdreg.scid  }
0x8b: {  	s0 =	sand.u32 $0x1, s1  }
0x8c: {  	s17 =	sshll.u32 s0, $0xA;
	s2 =	sadd.s32 s3, s2  }
0x8d: {  	s2 =	sadd.s32 s2, s17  }
0x8e: {  	[smem:$0x3FC4] =	sst s2  }
0x8f: {  	_ = 	snop  }
0x90: {  	(tm) =	ssettm $0x1  }
0x91: {  	s18 =	sld [smem:$0x3FFB];
	_ =	sdelay $0x3  }
0x92: {  	_ =	strace s18  }
0x93: {  	s2 =	sld [smem:$0x3FFC];
	_ =	sdelay $0x3  }
0x94: {  	_ =	strace s2  }
0x95: {  	s2 =	sld [smem:$0x3FFD];
	_ =	sdelay $0x3  }
0x96: {  	_ =	strace s2  }
0x97: {  	_ =	strace $0x8FFFFFFF  }
0x98: {  	s19 =	sld [smem:$0x3FDB];
	_ =	sdelay $0x1  }
0x99: {  	s20 =	simm.s32 $_scs_section_size  }
0x9a: {  	s4 =	simm.s32 $_size__tile_overlayer_lowered;
	s5 =	simm.s32 $_tile_overlayer_lowered  }
0x9b: {  	s6 =	simm.s32 $0x1BFF;
	s21 =	sshll.u32 s5, $0x1;
	s3 =	sadd.s32 s20, s19  }
0x9c: {  	s22 =	simm.s32 $0x0;
	s4 =	sshll.u32 s4, $0x1;
	s5 =	sadd.s32 s21, s3  }
0x9d: {  	[timem:s22], [sflag:s6] =	dma.local [hbm:s5], s4  }
0x9e: {  	_ =	swait.ge [sflag:s6], s4  }
0x9f: {  	s4 =	ssub.s32 $0x0, s4;
	[sflag:s6] =	ssyncset.done $0x0  }
0xa0: {  	[sflag:s6] =	ssyncadd.s32 s4;
	_ =	sdelay $0x1  }
0xa1: {  	s23 =	simm.s32 $0x1B8B  }
0xa2: {  	_ =	swait.ge [sflag:s23], $0x1  }
0xa3: {  	[sflag:s23] =	ssyncset.done $0x0  }
0xa4: {  	[sflag:s23] =	ssyncadd.s32 $0xFFFFFFFF  }
0xa5: {  	s4 =	sld [smem:$0x0]  }
0xa6: {  	s5 =	sand.u32 $0xFFFFFFFE, s1  }
0xa7: {  	p0 =	sne.s32 s1, s5  }
0xa8: {  	s5 =	sshll.u32 @p0 s5, $0xE  }
0xa9: {  	s5 =	sadd.s32 @p0 $0x11B8D, s5;
	s6 =	sshll.u32 @p0 s4, $0x11  }
0xaa: {  	s5 =	sor.u32 @p0 s6, s5  }
0xab: {  	[sflag:s5] =	ssyncadd.remote.s32 @p0 $0x1;
	_ =	sdelay $0x1  }
0xac: {  	s5 =	simm.s32 @p0 $0x1B8D  }
0xad: {  	_ =	swait.eq @p0 [sflag:s5], $0x1  }
0xae: {  	[sflag:s5] =	ssyncadd.s32 @p0 $0xFFFFFFFF  }
0xaf: {  	s6 =	sshll.u32 @!p0 s1, $0xE  }
0xb0: {  	s6 =	sor.u32 @!p0 $0x4000, s6;
	s5 =	simm.s32 @!p0 $0x1B8D  }
0xb1: {  	s4 =	sshll.u32 @!p0 s4, $0x11;
	s6 =	sadd.s32 @!p0 $0x11B8D, s6;
	_ =	swait.eq @!p0 [sflag:s5], $0x1  }
0xb2: {  	s4 =	sor.u32 @!p0 s4, s6;
	[sflag:s5] =	ssyncadd.s32 @!p0 $0xFFFFFFFF  }
0xb3: {  	s25 =	simm.s32 $0x1B8E;
	s24 =	sld [smem:$0x3FFE];
	[sflag:s4] =	ssyncadd.remote.s32 @!p0 $0x1  }
0xb4: {  	s26 =	simm.s32 $execute0_lowered;
	[smem:$0x3FD2] =	sst s25  }
0xb5: {  	s5 =	sshll.u32 s26, $0x1;
	_ =	strace $0x80000049;
	[dreg:$0x1] =	wrdreg $0xFFFFFFFF  }
0xb6: {  	s28 =	simm.s32 $_size_execute0_lowered;
	s3 =	sadd.s32 s3, s5;
	[dreg:$0x0] =	wrdreg $0x0  }
0xb7: {  	s5 =	sshll.u32 s28, $0x1;
	[dreg:$0x2] =	wrdreg s3  }
0xb8: {  	[dreg:$0x3] =	wrdreg s5  }
0xb9: {  	[dreg:$0x4] =	wrdreg $0xC0  }
0xba: {  	_ =	task [dreg:s22], $0x5FFFF  }
0xbb: {  	[dreg:$0x1] =	wrdreg $0xFFFFFFFF  }
0xbc: {  	[dreg:$0x0] =	wrdreg $0x60  }
0xbd: {  	[dreg:$0x2] =	wrdreg s24  }
0xbe: {  	[dreg:$0x3] =	wrdreg $0x9  }
0xbf: {  	_ =	task.clear_ibuf [dreg:s22], $0x4FFFF;
	_ =	strace $0x90000049  }
0xc0: {  	s29 =	simm.s32 $0x9;
	_ =	strace $0x8000004B  }
0xc1: {  	_ =	swait.ge [sflag:s29], $0x1  }
0xc2: {  	[sflag:s29] =	ssyncadd.s32 $0xFFFFFFFF  }
0xc3: {  	_ =	strace $0x9000004B  }
0xc4: {  	_ =	sfence  }
0xc5: {  	s30 =	sld [smem:$0x0];
	_ =	sdelay $0x2  }
0xc6: {  	s31 =	sshll.u32 s1, $0xD;
	s1 =	sshrl.u32 s1, $0x2  }
0xc7: {  	s4 =	sand.u32 $0x4000, s31;
	s1 =	sadd.s32 s1, s30  }
0xc8: {  	s0 =	sor.u32 s4, s0;
	s1 =	sshll.u32 s1, $0x11  }
0xc9: {  	s0 =	sor.u32 s1, s0  }
0xca: {  	s0 =	sadd.s32 $0x8F2B, s0  }
0xcb: {  	[sflag:s0] =	ssyncadd.remote.s32 $0x1  }
0xcc: {  	_ =	sfence.sel $0xFFFF  }
0xcd: {  	[dreg:$0x0] =	wrdreg $0xFFFFFFFF;
	(pc) =	sbr.abs _section_cstart, $3  }
0xce: {  	[dreg:$0x1] =	wrdreg $0xFFFFFFFF  }
0xcf: {  	_ =	task.clear_ibuf [dreg:s22], $0x2FFFF;
	_ =	strace $0x9FFFFFFF  }
0xd0: {  	(tm) =	ssettm $0x7FFFFFFF  }
0xd1: {  	_ =	shalt  }
tec
execute0_lowered:
.L_overlay_start_1:
0x0: {  	(tag) =	ssettag $0x1  }
0x1: {  	s0 =	srdreg.scid;
	s5 =	rddreg [dreg:$0x0]  }
0x2: {  	s1 =	stileid.u32;
	s6 =	simm.s32 $0x1;
	s9 =	simm.s32 $0x1  }
0x3: {  	s10 =	simm.s32 $0x3;
	s13 =	simm.s32 $0x0;
	s2 =	sshll.u32 s0, $0xD  }
0x4: {  	s12 =	simm.s32 $0x0;
	s3 =	sshll.u32 s1, $0xE;
	s2 =	sand.u32 $0x2000, s2  }
0x5: {  	s0 =	rddreg [dreg:$0x1];
	_ =	strace $0x8000004A;
	s2 =	sor.u32 s3, s2  }
0x6: {  	s4 =	sadd.s32 $0x15A00, s5;
	[sflag:s6] =	ssyncpa.u1 $0x0;
	s8 =	ssub.s32 $0x50000, s2  }
.Ltmp0:
0x7: {  	s3 =	sadd.s32 $0x1A00, s5;
	s7 =	sand.u32 $0x3E000, s8;
	(pc) =	sbr.rel .LBB2_1-.Ltmp0, $4  }
0x8: {  	s5 =	sadd.s32 $0x29A00, s5;
	s11 =	smov.u32 s2;
	p0 =	sne.s32 s7, $0x0  }
0x9: {  	s8 =	sshrl.u32 s8, $0x12;
	s7 =	simm.s32 $0x2;
	s9 =	simm.s32 @!p0 $0x0  }
0xa: {  	[sflag:s7] =	ssyncpa.u1 $0x0;
	p0 =	por $0x0, $0x0;
	s8 =	sadd.s32 s9, s8  }
0xb: {  	vm0 =	vmmov $0xffff;
	[sflag:s10] =	ssyncpa.u1 $0x0;
	s10 =	simm.s32 $0x0;
	s9 =	sadd.s32 $0x1, s8  }
.LBB2_4:
0xc: {  	v2 =	vnsel vm1, $0x0, v2  }
0xd: {  	vm1 =	vgt.s32 v0, $0x0;
	v2 =	vmin.u32 v2, $0x4FFFF  }
0xe: {  	v0 =	vnsel vm1, $0x0, v0  }
0xf: {  	v0 =	vmin.u32 v0, $0x4FFFF  }
0x10: {  	[tilespmem:s15], [sflag:$0x1] =	stream.indirect_vreg.gather [hbm4b:s3+s10], $0x1, v1, vm0, $0x4038;
	[tilespmem:$0x8000] =	vst v63  }
0x11: {  	(ifvalue) =	ssetifvalue $0x7FFFFFFF  }
0x12: {  	[tilespmem:s16], [sflag:$0x1] =	stream.indirect_vreg.gather [hbm4b:s3+s10], $0x1, v2, vm0, $0x4038;
	[tilespmem:$0x8000] =	vst v63  }
0x13: {  	s29 =	sadd.s32 $0x10, s16;
	(ifvalue) =	ssetifvalue $0x7FFFFFFF  }
0x14: {  	[tilespmem:s29], [sflag:$0x1] =	stream.indirect_vreg.gather [hbm4b:s3+s10], $0x1, v0, vm0, $0x4038;
	[tilespmem:$0x8000] =	vst v63  }
0x15: {  	_ =	swait.ge [sflag:s6], $0x2000  }
0x16: {  	s30 =	sshrl.u32 s13, $0x3;
	[sflag:s6] =	ssyncset.done $0x0  }
0x17: {  	s31 =	sand.u32 $0x7, s13;
	s15 =	sadd.s32 s5, s30;
	[sflag:s6] =	ssyncadd.s32 $0xFFFFE000  }
0x18: {  	[hbm4b:s15+s31] =	stream.linear.scatter [tilespmem:s14], [sflag:$0x3], $0x2000, $0x38;
	[tilespmem:$0x8000] =	vst v63  }
.LBB2_5:
0x19: {  	s15 =	sadd.s32 $0x40000, s11  }
0x1a: {  	p2 =	sgt.s32 s15, $0x4FFFF  }
0x1b: {  	s15 =	smov.u32 @p2 s2;
	p2 =	sne.s32 s12, s9  }
.Ltmp1:
0x1c: {  	p1 =	slt.u32 s12, $0x2;
	(pc) =	sbr.rel @!p2 .LBB2_6-.Ltmp1, $4  }
0x1d: {  	s14 =	simm.s32 @!p1 $0x3  }
0x1e: {  	s16 =	sadd.s32 $0x1, s12;
	_ =	swait.ge @!p1 [sflag:s14], $0x2000  }
0x1f: {  	s13 =	smov.u32 s11;
	p0 =	por !p0, !p0;
	[sflag:s14] =	ssyncset.done @!p1 $0x0  }
0x20: {  	s12 =	smov.u32 s16;
	s11 =	smov.u32 s15;
	[sflag:s14] =	ssyncadd.s32 @!p1 $0xFFFFE000  }
.LBB2_1:
0x21: {  	p1 =	sge.u32 s12, s8  }
0x22: {  	s14 =	sxor.u32 @!p1 $0xFFFFFFFF, s12  }
0x23: {  	s31 =	sadd.s32 $0xFFFFFFFF, s12;
	s15 =	sshrl.u32 @!p1 s11, $0x3;
	s14 =	sshll.u32 @!p1 s14, $0xD  }
0x24: {  	s16 =	sand.u32 @!p1 $0x7, s11;
	s15 =	sadd.s32 @!p1 s4, s15;
	s14 =	sand.u32 @!p1 $0x2000, s14  }
0x25: {  	[tilespmem:s14], [sflag:$0x2] =	stream.linear.gather @!p1 [hbm4b:s15+s16], $0x2000, $0x38;
	[tilespmem:$0x8000] =	vst v63  }
0x26: {  	p1 =	sge.u32 s31, s8  }
.Ltmp2:
0x27: {  	_ = 	snop;
	(pc) =	sbr.rel @p1 .LBB2_5-.Ltmp2, $1  }
0x28: {  	_ =	sdelay $0x3  }
0x29: {  	s14 =	simm.s32 $0x1  }
0x2a: {  	_ =	swait.ge [sflag:s7], $0x2000;
	s14 =	simm.s32 @!p0 $0x0  }
0x2b: {  	[sflag:s7] =	ssyncset.done $0x0;
	s14 =	sshll.u32 s14, $0xD  }
0x2c: {  	[sflag:s7] =	ssyncadd.s32 $0xFFFFE000;
	(ifvalue) =	ssetifvalue $0x7FFFFFFF;
	v0 =	vld.msk [tilespmem:s14+$0x0 ss:$0x1], $0xffff;
	_ =	sdelay $0x4  }
0x2d: {  	s15 =	sadd.s32 $0x10, s14;
	vm1 =	vgt.s32 v0, $0x0  }
0x2e: {  	v2 =	vld.msk [tilespmem:s15+$0x0 ss:$0x1], $0xffff;
	v1 =	vnsel vm1, $0x0, v0  }
0x2f: {  	v1 =	vmin.u32 v1, $0x4FFFF;
	_ =	sdelay $0x1  }
0x30: {  	s16 =	sshll.u32 s12, $0xD;
	s18 =	simm.s32 $0x20  }
0x31: {  	s16 =	sand.u32 $0x2000, s16;
	s17 =	sadd.s32 $0x10, s15;
	s15 =	sor.u32 $0x4000, s14  }
0x32: {  	s14 =	sor.u32 $0x4000, s16;
	s16 =	sadd.s32 $0x10, s15;
	v0 =	vld.msk [tilespmem:s17+$0x0 ss:$0x1], $0xffff;
	vm1 =	vgt.s32 v2, $0x0;
	(ifvalue) =	ssetifvalue $0x7FFFFFFF  }
.LBB2_3:
0x33: {  	[tilespmem:s15], [sflag:$0x1] =	stream.indirect_vreg.gather [hbm4b:s3+s10], $0x1, v1, vm0, $0x4038;
	[tilespmem:$0x8000] =	vst v63  }
0x34: {  	s18 =	sadd.s32 $0x10, s18  }
0x35: {  	v2 =	vnsel vm1, $0x0, v2;
	p1 =	slt.u32 s18, $0x1FF0  }
.Ltmp3:
0x36: {  	s15 =	smov.u32 s16;
	v1 =	vmin.u32 v2, $0x4FFFF;
	(pc) =	sbr.rel @p1 .LBB2_3-.Ltmp3, $3  }
0x37: {  	_ =	sdelay $0x1  }
0x38: {  	s17 =	sadd.s32 $0x10, s17  }
0x39: {  	vm1 =	vgt.s32 v0, $0x0;
	s16 =	sadd.s32 $0x10, s16;
	v2 =	vmov v0;
	(ifvalue) =	ssetifvalue $0x7FFFFFFF;
	v0 =	vld.msk [tilespmem:s17+$0x0 ss:$0x1], $0xffff  }
.Ltmp4:
0x3a: {  	_ = 	snop;
	(pc) =	sbr.rel .LBB2_4-.Ltmp4, $1  }
0x3b: {  	_ =	sdelay $0x3  }
.LBB2_6:
0x3c: {  	_ =	sfence.sel $0x180000  }
0x3d: {  	s2 =	simm.s32 $0x2;
	[bflag:$0x0] =	sbarrier.arrive $0xFFFF  }
0x3e: {  	s30 =	simm.s32 $0x3;
	[sflag:s2] =	ssyncpa.u1 $0x1  }
0x3f: {  	s31 =	simm.s32 $0x1;
	[sflag:s30] =	ssyncpa.u1 $0x1  }
0x40: {  	[sflag:s31] =	ssyncpa.u1 $0x1  }
0x41: {  	p0 =	sne.s32 s1, $0x0;
	_ =	strace $0x9000004A  }
0x42: {  	s0 =	sadd.s32 @!p0 $0x100000, s0;
	[bflag:$0x2] =	sbarrier.arrive $0xFFFF  }
0x43: {  	[sflag:s0] =	ssyncadd.tile.s32 @!p0 $0x1;
	_ =	shalt  }
.Lfunc_end2:
_tile_overlayer_lowered:
.L_overlay_start_2:
0x44: {  	(tag) =	ssettag $0x2  }
0x45: {  	s0 =	rddreg [dreg:$0x0];
	s2 =	stileid.u32  }
0x46: {  	s1 =	rddreg [dreg:$0x1];
	p0 =	sne.s32 s2, $0x0  }
0x47: {  	s3 =	rddreg [dreg:$0x2];
	[bflag:$0x3] =	sbarrier.arrive $0xFFFF;
	s2 =	simm.s32 @!p0 $0x1C01  }
0x48: {  	[timem:s3], [sflag:s2] =	dma.local @!p0 [hbm:s0], s1  }
0x49: {  	s0 =	simm.s32 @!p0 $0x1  }
0x4a: {  	_ =	swait.ge @!p0 [sflag:s0], s1  }
0x4b: {  	s1 =	ssub.s32 @!p0 $0x0, s1;
	[sflag:s0] =	ssyncset.done @!p0 $0x0  }
0x4c: {  	[sflag:s0] =	ssyncadd.s32 @!p0 s1  }
0x4d: {  	[bflag:$0x3] =	sbarrier.arrive $0xFFFF  }
0x4e: {  	_ =	shalt  }

// kernel: kernel.6.cloned.1.call-start
scs
__scs_entry_jumppad:
0x0: {  	(pc) =	sbr.rel $0x88, $3  }
0x1: {  	(tag) =	ssettag $0x0;
	lr =	simm.s32 $0x1  }
0x2: {  	[smem:$0x3F9D] =	sst lr;
	_ =	strace $0xD0000000  }
0x3: {  	_ = 	snop  }
0x4: {  	_ = 	snop  }
0x5: {  	_ = 	snop  }
0x6: {  	_ = 	snop  }
0x7: {  	_ = 	snop  }
__scs_overlays_trampoline_lowered:
0x8: {  	[smem:$0x3FAC] =	sst s0  }
0x9: {  	[smem:$0x3FAD] =	sst s1  }
0xa: {  	[smem:$0x3FAE] =	sst s2  }
0xb: {  	[smem:$0x3FAF] =	sst s3  }
0xc: {  	[smem:$0x3FB0] =	sst s4  }
0xd: {  	[smem:$0x3FB1] =	sst s5  }
0xe: {  	[smem:$0x3FB2] =	sst s6  }
0xf: {  	[smem:$0x3FB3] =	sst s7  }
0x10: {  	[smem:$0x3FB4] =	sst s8  }
0x11: {  	[smem:$0x3FB5] =	sst s9;
	s0 =	simm.s32 @!p0 $0x0  }
0x12: {  	s1 =	sld [smem:$0x3F9B];
	s0 =	simm.s32 @p0 $0x1  }
0x13: {  	[smem:$0x3FB6] =	sst s0;
	s0 =	simm.s32 @!p1 $0x0  }
0x14: {  	s2 =	sld [smem:$0x3F9A];
	s0 =	simm.s32 @p1 $0x1  }
0x15: {  	[smem:$0x3FB7] =	sst s0;
	s0 =	simm.s32 @!p2 $0x0  }
0x16: {  	s3 =	sld [smem:$0x3FDB];
	s0 =	simm.s32 @p2 $0x1  }
0x17: {  	s4 =	simm.s32 $0x1BF5;
	[smem:$0x3FB9] =	sst s0  }
0x18: {  	s0 =	sld [smem:$0x3F9C];
	_ =	swait.ge [sflag:s4], $0x0  }
0x19: {  	s7 =	sld [smem:$0x3F9D]  }
0x1a: {  	s8 =	sadd.s32 $0xFFFFE003, lr  }
0x1b: {  	s9 =	sadd.s32 $0xFFFFFEF7, lr;
	s5 =	simm.s32 $0xFFFFFFFF;
	p2 =	slt.u32 s8, $0xFFFFF086  }
0x1c: {  	p1 =	slt.u32 s9, $0xF7A;
	s5 =	simm.s32 @!p2 $0x0  }
0x1d: {  	s5 =	simm.s32 @p1 $0x1;
	p0 =	seq.s32 s7, s2  }
0x1e: {  	s7 =	smul.u32 @!p0 $0xF7A, s2;
	p2 =	seq.s32 @!p0 s5, $0x0  }
0x1f: {  	s9 =	smul.u32 $0xF7A, s1;
	s8 =	simm.s32 @!p0 $0x1BF5;
	p2 =	por !p2, p0  }
0x20: {  	[sflag:s8] =	ssyncset.s32 @!p0 $0xFFFFF086;
	s6 =	sadd.s32 @!p0 s3, s7;
	s7 =	simm.s32 @!p0 $0x108  }
0x21: {  	s3 =	sadd.s32 s3, s9;
	s6 =	sadd.s32 @!p0 $0x88, s6;
	s7 =	simm.s32 @p2 $0x1082  }
0x22: {  	[simem:s7], [sflag:s8] =	dma.local @!p0 [hbm:s6], $0xF7A  }
0x23: {  	s9 =	sor.u32 $0xD0000000, s2;
	s6 =	simm.s32 $0x108;
	_ =	swait.ge @!p0 [sflag:s8], $0x0  }
0x24: {  	s3 =	sadd.s32 $0x88, s3;
	s6 =	simm.s32 @!p1 $0x1082;
	[sflag:s4] =	ssyncset.s32 $0xFFFFF086  }
0x25: {  	[simem:s6], [sflag:s4] =	dma.local [hbm:s3], $0xF7A  }
0x26: {  	[smem:$0x3F9D] =	sst s1;
	(tag) =	ssettag s2;
	_ =	strace s9  }
0x27: {  	s1 =	sld [smem:$0x3FAD]  }
0x28: {  	s2 =	sld [smem:$0x3FAE]  }
0x29: {  	s4 =	sld [smem:$0x3FB0]  }
0x2a: {  	p0 =	seq.s32 s5, $0x0;
	s5 =	sld [smem:$0x3FB1]  }
0x2b: {  	s6 =	sld [smem:$0x3FB2]  }
0x2c: {  	s7 =	sld [smem:$0x3FB3]  }
0x2d: {  	s3 =	simm.s32 $0x108;
	s8 =	sld [smem:$0x3FB4]  }
0x2e: {  	s3 =	simm.s32 @!p0 $0x1082;
	s9 =	sld [smem:$0x3FB5]  }
0x2f: {  	lr =	sadd.s32 s0, s3;
	s0 =	sld [smem:$0x3FAC]  }
0x30: {  	s3 =	sld [smem:$0x3FAF]  }
0x31: {  	[smem:$0x3FB8] =	sst s10  }
0x32: {  	s10 =	sld [smem:$0x3FB6];
	_ =	sdelay $0x3  }
0x33: {  	p0 =	seq.s32 s10, $0x1;
	s10 =	sld [smem:$0x3FB8];
	_ =	sdelay $0x3  }
0x34: {  	[smem:$0x3FB8] =	sst s10  }
0x35: {  	s10 =	sld [smem:$0x3FB7];
	_ =	sdelay $0x3  }
0x36: {  	p1 =	seq.s32 s10, $0x1;
	s10 =	sld [smem:$0x3FB8];
	_ =	sdelay $0x3  }
0x37: {  	[smem:$0x3FB8] =	sst s10  }
0x38: {  	s10 =	sld [smem:$0x3FB9]  }
0x39: {  	_ = 	snop;
	(pc) =	sbr.ind lr, $3  }
0x3a: {  	_ = 	snop  }
0x3b: {  	_ = 	snop  }
0x3c: {  	p2 =	seq.s32 s10, $0x1;
	s10 =	sld [smem:$0x3FB8]  }
0x3d: {  	_ =	shalt  }
0x3e: {  	_ =	shalt  }
0x3f: {  	_ =	shalt  }
0x40: {  	_ =	shalt  }
0x41: {  	_ =	shalt  }
0x42: {  	_ =	shalt  }
0x43: {  	_ =	shalt  }
0x44: {  	_ =	shalt  }
0x45: {  	_ =	shalt  }
0x46: {  	_ =	shalt  }
0x47: {  	_ =	shalt  }
0x48: {  	_ =	shalt  }
0x49: {  	_ =	shalt  }
0x4a: {  	_ =	shalt  }
0x4b: {  	_ =	shalt  }
0x4c: {  	_ =	shalt  }
0x4d: {  	_ =	shalt  }
0x4e: {  	_ =	shalt  }
0x4f: {  	_ =	shalt  }
0x50: {  	_ =	shalt  }
0x51: {  	_ =	shalt  }
0x52: {  	_ =	shalt  }
0x53: {  	_ =	shalt  }
0x54: {  	_ =	shalt  }
0x55: {  	_ =	shalt  }
0x56: {  	_ =	shalt  }
0x57: {  	_ =	shalt  }
0x58: {  	_ =	shalt  }
0x59: {  	_ =	shalt  }
0x5a: {  	_ =	shalt  }
0x5b: {  	_ =	shalt  }
0x5c: {  	_ =	shalt  }
0x5d: {  	_ =	shalt  }
0x5e: {  	_ =	shalt  }
0x5f: {  	_ =	shalt  }
0x60: {  	_ =	shalt  }
0x61: {  	_ =	shalt  }
0x62: {  	_ =	shalt  }
0x63: {  	_ =	shalt  }
0x64: {  	_ =	shalt  }
0x65: {  	_ =	shalt  }
0x66: {  	_ =	shalt  }
0x67: {  	_ =	shalt  }
0x68: {  	_ =	shalt  }
0x69: {  	_ =	shalt  }
0x6a: {  	_ =	shalt  }
0x6b: {  	_ =	shalt  }
0x6c: {  	_ =	shalt  }
0x6d: {  	_ =	shalt  }
0x6e: {  	_ =	shalt  }
0x6f: {  	_ =	shalt  }
0x70: {  	_ =	shalt  }
0x71: {  	_ =	shalt  }
0x72: {  	_ =	shalt  }
0x73: {  	_ =	shalt  }
0x74: {  	_ =	shalt  }
0x75: {  	_ =	shalt  }
0x76: {  	_ =	shalt  }
0x77: {  	_ =	shalt  }
0x78: {  	_ =	shalt  }
0x79: {  	_ =	shalt  }
0x7a: {  	_ =	shalt  }
0x7b: {  	_ =	shalt  }
0x7c: {  	_ =	shalt  }
0x7d: {  	_ =	shalt  }
0x7e: {  	_ =	shalt  }
0x7f: {  	_ =	shalt  }
0x80: {  	_ =	shalt  }
0x81: {  	_ =	shalt  }
0x82: {  	_ =	shalt  }
0x83: {  	_ =	shalt  }
0x84: {  	_ =	shalt  }
0x85: {  	_ =	shalt  }
0x86: {  	_ =	shalt  }
0x87: {  	_ =	shalt  }
.Lfunc_end0:
.L_simem_size_0:
called_computation.2_lowered:
.L_overlay_start_0:
0x88: {  	s2 =	sld [smem:$0x3FD9]  }
0x89: {  	s3 =	sld [smem:$0x3FFE];
	_ =	sdelay $0x1  }
0x8a: {  	s1 =	srdreg.scid  }
0x8b: {  	s0 =	sand.u32 $0x1, s1  }
0x8c: {  	s17 =	sshll.u32 s0, $0xA;
	s2 =	sadd.s32 s3, s2  }
0x8d: {  	s2 =	sadd.s32 s2, s17  }
0x8e: {  	[smem:$0x3FC4] =	sst s2  }
0x8f: {  	_ = 	snop  }
0x90: {  	s18 =	sld [smem:$0x3FD0];
	(tm) =	ssettm $0x1  }
0x91: {  	s19 =	sld [smem:$0x3FFB];
	_ =	sdelay $0x3  }
0x92: {  	_ =	strace s19  }
0x93: {  	s2 =	sld [smem:$0x3FFC];
	_ =	sdelay $0x3  }
0x94: {  	_ =	strace s2  }
0x95: {  	s2 =	sld [smem:$0x3FFD];
	_ =	sdelay $0x3  }
0x96: {  	_ =	strace s2  }
0x97: {  	_ =	strace $0x8FFFFFFF  }
0x98: {  	s20 =	sld [smem:$0x3FDB];
	_ =	sdelay $0x1  }
0x99: {  	s4 =	simm.s32 $_scs_section_size  }
0x9a: {  	s5 =	simm.s32 $_size__tile_overlayer_lowered;
	s6 =	simm.s32 $_tile_overlayer_lowered  }
0x9b: {  	s7 =	simm.s32 $0x1BFF;
	s21 =	sshll.u32 s6, $0x1;
	s4 =	sadd.s32 s4, s20  }
0x9c: {  	s22 =	simm.s32 $0x0;
	s5 =	sshll.u32 s5, $0x1;
	s6 =	sadd.s32 s21, s4  }
0x9d: {  	[timem:s22], [sflag:s7] =	dma.local [hbm:s6], s5  }
0x9e: {  	_ =	swait.ge [sflag:s7], s5  }
0x9f: {  	s5 =	ssub.s32 $0x0, s5;
	[sflag:s7] =	ssyncset.done $0x0  }
0xa0: {  	[sflag:s7] =	ssyncadd.s32 s5;
	_ =	sdelay $0x1  }
0xa1: {  	s23 =	simm.s32 $0x1B8B  }
0xa2: {  	_ =	swait.ge [sflag:s23], $0x1  }
0xa3: {  	[sflag:s23] =	ssyncset.done $0x0  }
0xa4: {  	[sflag:s23] =	ssyncadd.s32 $0xFFFFFFFF  }
0xa5: {  	s5 =	sld [smem:$0x0]  }
0xa6: {  	s6 =	sand.u32 $0xFFFFFFFE, s1  }
0xa7: {  	p0 =	sne.s32 s1, s6  }
0xa8: {  	s6 =	sshll.u32 @p0 s6, $0xE  }
0xa9: {  	s6 =	sadd.s32 @p0 $0x11B8D, s6;
	s7 =	sshll.u32 @p0 s5, $0x11  }
0xaa: {  	s6 =	sor.u32 @p0 s7, s6  }
0xab: {  	[sflag:s6] =	ssyncadd.remote.s32 @p0 $0x1;
	_ =	sdelay $0x1  }
0xac: {  	s6 =	simm.s32 @p0 $0x1B8D  }
0xad: {  	_ =	swait.eq @p0 [sflag:s6], $0x1  }
0xae: {  	[sflag:s6] =	ssyncadd.s32 @p0 $0xFFFFFFFF  }
0xaf: {  	s7 =	sshll.u32 @!p0 s1, $0xE  }
0xb0: {  	s7 =	sor.u32 @!p0 $0x4000, s7;
	s6 =	simm.s32 @!p0 $0x1B8D  }
0xb1: {  	s5 =	sshll.u32 @!p0 s5, $0x11;
	s7 =	sadd.s32 @!p0 $0x11B8D, s7;
	_ =	swait.eq @!p0 [sflag:s6], $0x1  }
0xb2: {  	s5 =	sor.u32 @!p0 s5, s7;
	[sflag:s6] =	ssyncadd.s32 @!p0 $0xFFFFFFFF  }
0xb3: {  	s25 =	simm.s32 $0x1B8E;
	s24 =	sld [smem:$0x3FFE];
	[sflag:s5] =	ssyncadd.remote.s32 @!p0 $0x1  }
0xb4: {  	s26 =	simm.s32 $execute0_lowered;
	[smem:$0x3FD2] =	sst s25  }
0xb5: {  	s6 =	sshll.u32 s26, $0x1;
	_ =	strace $0x8000004F;
	[dreg:$0x1] =	wrdreg $0xFFFFFFFF  }
0xb6: {  	s28 =	simm.s32 $_size_execute0_lowered;
	s4 =	sadd.s32 s4, s6;
	[dreg:$0x0] =	wrdreg $0x0  }
0xb7: {  	s6 =	sshll.u32 s28, $0x1;
	[dreg:$0x2] =	wrdreg s4  }
0xb8: {  	[dreg:$0x3] =	wrdreg s6  }
0xb9: {  	[dreg:$0x4] =	wrdreg $0xC0  }
0xba: {  	_ =	task [dreg:s22], $0x5FFFF  }
0xbb: {  	[dreg:$0x1] =	wrdreg $0xFFFFFFFF  }
0xbc: {  	[dreg:$0x0] =	wrdreg $0x60  }
0xbd: {  	[dreg:$0x2] =	wrdreg s18  }
0xbe: {  	[dreg:$0x3] =	wrdreg s24  }
0xbf: {  	[dreg:$0x4] =	wrdreg $0xA8000  }
0xc0: {  	[dreg:$0x5] =	wrdreg $0x9  }
0xc1: {  	_ =	task.clear_ibuf [dreg:s22], $0x6FFFF;
	_ =	strace $0x9000004F  }
0xc2: {  	s29 =	simm.s32 $0x9;
	_ =	strace $0x80000051  }
0xc3: {  	_ =	swait.ge [sflag:s29], $0x1  }
0xc4: {  	[sflag:s29] =	ssyncadd.s32 $0xFFFFFFFF  }
0xc5: {  	_ =	strace $0x90000051  }
0xc6: {  	_ =	sfence  }
0xc7: {  	s30 =	sld [smem:$0x0];
	_ =	sdelay $0x2  }
0xc8: {  	s31 =	sshll.u32 s1, $0xD;
	s1 =	sshrl.u32 s1, $0x2  }
0xc9: {  	s4 =	sand.u32 $0x4000, s31;
	s1 =	sadd.s32 s1, s30  }
0xca: {  	s0 =	sor.u32 s4, s0;
	s1 =	sshll.u32 s1, $0x11  }
0xcb: {  	s0 =	sor.u32 s1, s0  }
0xcc: {  	s0 =	sadd.s32 $0x8F2B, s0  }
0xcd: {  	[sflag:s0] =	ssyncadd.remote.s32 $0x1  }
0xce: {  	_ =	sfence.sel $0xFFFF  }
0xcf: {  	[dreg:$0x0] =	wrdreg $0xFFFFFFFF;
	(pc) =	sbr.abs _section_cstart, $3  }
0xd0: {  	[dreg:$0x1] =	wrdreg $0xFFFFFFFF  }
0xd1: {  	_ =	task.clear_ibuf [dreg:s22], $0x2FFFF;
	_ =	strace $0x9FFFFFFF  }
0xd2: {  	(tm) =	ssettm $0x7FFFFFFF  }
0xd3: {  	_ =	shalt  }
tec
execute0_lowered:
.L_overlay_start_1:
0x0: {  	(tag) =	ssettag $0x1  }
0x1: {  	s1 =	srdreg.scid  }
0x2: {  	s1 =	sand.u32 $0x1, s1  }
0x3: {  	p0 =	seq.s32 s1, $0x1  }
.Ltmp0:
0x4: {  	s4 =	rddreg [dreg:$0x0];
	(pc) =	sbr.rel @p0 .LBB2_8-.Ltmp0, $4  }
0x5: {  	s5 =	rddreg [dreg:$0x1]  }
0x6: {  	s2 =	rddreg [dreg:$0x2];
	s3 =	simm.s32 $0x0  }
0x7: {  	[smem:$0x7FF] =	sst s3  }
0x8: {  	s0 =	rddreg [dreg:$0x3];
	_ =	strace $0x80000050;
	s1 =	stileid.u32  }
0x9: {  	s3 =	smul.u32 $0x52000, s1  }
0xa: {  	s6 =	smul.u32 $0x2900, s1  }
0xb: {  	s31 =	smul.u32 $0x500, s1  }
0xc: {  	s7 =	sadd.s32 $0x29A00, s5;
	s8 =	sadd.s32 $0x1FA00, s5;
	s3 =	sshrl.u32 s3, $0x2  }
0xd: {  	s30 =	sadd.s32 s6, s5;
	s9 =	sadd.s32 $0x280, s31;
	s11 =	sadd.s32 s7, s31  }
0xe: {  	s10 =	sadd.s32 s8, s31;
	s3 =	sadd.s32 s3, s2;
	s5 =	sadd.s32 $0x5CA00, s30  }
0xf: {  	s7 =	sadd.s32 s7, s9;
	s6 =	sadd.s32 s8, s9;
	s8 =	simm.s32 $0x0  }
0x10: {  	s9 =	simm.s32 $0x200;
	s16 =	sadd.s32 $0x4000, s3;
	s15 =	sadd.s32 $0x8000, s3  }
0x11: {  	v0 =	vimm.f32 $0.0e+00;
	s14 =	sadd.s32 $0xC000, s3;
	s13 =	sadd.s32 $0x10000, s3;
	s12 =	sadd.s32 $0x14000, s3  }
.LBB2_2:
0x12: {  	p0 =	sne.s32 s9, $0xFE00;
	[tilespmem:s8+$0x2870] =	vst v0  }
0x13: {  	[tilespmem:s8+$0x2800] =	vst v0  }
0x14: {  	[tilespmem:s8+$0x2810] =	vst v0  }
.Ltmp1:
0x15: {  	[tilespmem:s8+$0x2820] =	vst v0;
	(pc) =	sbr.rel @p0 .LBB2_2-.Ltmp1, $4  }
0x16: {  	[tilespmem:s8+$0x2830] =	vst v0  }
0x17: {  	[tilespmem:s8+$0x2840] =	vst v0  }
0x18: {  	[tilespmem:s8+$0x2850] =	vst v0  }
0x19: {  	[tilespmem:s8+$0x2860] =	vst v0;
	s8 =	sshra.s32 s9, $0x2;
	s9 =	sadd.s32 $0x200, s9  }
0x1a: {  	[tilespmem:s8+$0x2870] =	vst v0  }
0x1b: {  	[tilespmem:s8+$0x2800] =	vst v0  }
0x1c: {  	[tilespmem:s8+$0x2810] =	vst v0  }
0x1d: {  	[tilespmem:s8+$0x2820] =	vst v0  }
0x1e: {  	[tilespmem:s8+$0x2830] =	vst v0  }
0x1f: {  	[tilespmem:s8+$0x2840] =	vst v0  }
0x20: {  	[tilespmem:s8+$0x2850] =	vst v0  }
0x21: {  	[tilespmem:s8+$0x2860] =	vst v0;
	s8 =	simm.s32 $0x2800;
	s9 =	simm.s32 $0x3  }
0x22: {  	[spmem:s3] =	stream.linear.scatter [tilespmem:s8], [sflag:$0x3], $0x4000, $0x38;
	[tilespmem:$0x1F000] =	vst v63  }
0x23: {  	_ =	swait.ge [sflag:s9], $0x4000  }
0x24: {  	[sflag:s9] =	ssyncset.done $0x0  }
0x25: {  	[sflag:s9] =	ssyncadd.s32 $0xFFFFC000  }
0x26: {  	[spmem:s16] =	stream.linear.scatter [tilespmem:s8], [sflag:$0x3], $0x4000, $0x38;
	[tilespmem:$0x1F000] =	vst v63  }
0x27: {  	_ =	swait.ge [sflag:s9], $0x4000  }
0x28: {  	[sflag:s9] =	ssyncset.done $0x0  }
0x29: {  	[sflag:s9] =	ssyncadd.s32 $0xFFFFC000  }
0x2a: {  	[spmem:s15] =	stream.linear.scatter [tilespmem:s8], [sflag:$0x3], $0x4000, $0x38;
	[tilespmem:$0x1F000] =	vst v63  }
0x2b: {  	_ =	swait.ge [sflag:s9], $0x4000  }
0x2c: {  	[sflag:s9] =	ssyncset.done $0x0  }
0x2d: {  	[sflag:s9] =	ssyncadd.s32 $0xFFFFC000  }
0x2e: {  	[spmem:s14] =	stream.linear.scatter [tilespmem:s8], [sflag:$0x3], $0x4000, $0x38;
	[tilespmem:$0x1F000] =	vst v63  }
0x2f: {  	_ =	swait.ge [sflag:s9], $0x4000  }
0x30: {  	[sflag:s9] =	ssyncset.done $0x0  }
0x31: {  	[sflag:s9] =	ssyncadd.s32 $0xFFFFC000  }
0x32: {  	[spmem:s13] =	stream.linear.scatter [tilespmem:s8], [sflag:$0x3], $0x4000, $0x38;
	[tilespmem:$0x1F000] =	vst v63  }
0x33: {  	_ =	swait.ge [sflag:s9], $0x4000  }
0x34: {  	[sflag:s9] =	ssyncset.done $0x0  }
0x35: {  	[sflag:s9] =	ssyncadd.s32 $0xFFFFC000  }
0x36: {  	[spmem:s12] =	stream.linear.scatter [tilespmem:s8], [sflag:$0x3], $0x800, $0x38;
	[tilespmem:$0x1F000] =	vst v63  }
0x37: {  	_ =	swait.ge [sflag:s9], $0x800  }
0x38: {  	[sflag:s9] =	ssyncset.done $0x0  }
0x39: {  	[sflag:s9] =	ssyncadd.s32 $0xFFFFF800  }
0x3a: {  	s26 =	simm.s32 $0x0;
	[bflag:$0x0] =	sbarrier.arrive $0xFFFF  }
0x3b: {  	[tilespmem:s26], [sflag:$0x3] =	stream.linear.gather [hbm4b:s11+s26], $0x1400, $0x38;
	[tilespmem:$0x1F000] =	vst v63  }
0x3c: {  	_ =	swait.ge [sflag:s9], $0x1400  }
0x3d: {  	[sflag:s9] =	ssyncset.done $0x0  }
0x3e: {  	s28 =	simm.s32 $0x1400;
	[sflag:s9] =	ssyncadd.s32 $0xFFFFEC00  }
0x3f: {  	[tilespmem:s28], [sflag:$0x3] =	stream.linear.gather [hbm4b:s10+s26], $0x1400, $0x38;
	[tilespmem:$0x1F000] =	vst v63  }
0x40: {  	_ =	swait.ge [sflag:s9], $0x1400  }
0x41: {  	[sflag:s9] =	ssyncset.done $0x0  }
0x42: {  	s10 =	simm.s32 $0x80;
	[sflag:s9] =	ssyncadd.s32 $0xFFFFEC00  }
0x43: {  	[tilespmem:s8], [sflag:$0x1] =	stream.indirect.gather [hbm4b:s4+s10], $0x80, s26, s10, $0xb8;
	[tilespmem:$0x1F000] =	vst v63  }
0x44: {  	s12 =	simm.s32 $0x1;
	s11 =	simm.s32 $0x6800  }
0x45: {  	[tilespmem:s11], [sflag:$0x2] =	stream.indirect.gather [hbm4b:s4+s10], $0x80, s10, s10, $0xb8;
	[tilespmem:$0x1F000] =	vst v63  }
0x46: {  	_ =	swait.ge [sflag:s12], $0x4000  }
0x47: {  	[sflag:s12] =	ssyncset.done $0x0  }
0x48: {  	s29 =	simm.s32 $0x1400;
	[sflag:s12] =	ssyncadd.s32 $0xFFFFC000  }
0x49: {  	[spmem:s2] =	stream.indirect.scatter.add.f32 [tilespmem:s8], [sflag:$0x3], $0x80, s29, s10, $0xb8;
	[tilespmem:$0x1F000] =	vst v63  }
0x4a: {  	_ =	swait.ge [sflag:s9], $0x4000  }
0x4b: {  	[sflag:s9] =	ssyncset.done $0x0  }
0x4c: {  	s30 =	simm.s32 $0x100;
	s13 =	simm.s32 $0x2;
	[sflag:s9] =	ssyncadd.s32 $0xFFFFC000  }
0x4d: {  	[tilespmem:s8], [sflag:$0x1] =	stream.indirect.gather [hbm4b:s4+s10], $0x80, s30, s10, $0xb8;
	[tilespmem:$0x1F000] =	vst v63  }
0x4e: {  	_ =	swait.ge [sflag:s13], $0x4000  }
0x4f: {  	[sflag:s13] =	ssyncset.done $0x0  }
0x50: {  	s31 =	simm.s32 $0x1480;
	[sflag:s13] =	ssyncadd.s32 $0xFFFFC000  }
0x51: {  	[spmem:s2] =	stream.indirect.scatter.add.f32 [tilespmem:s11], [sflag:$0x3], $0x80, s31, s10, $0xb8;
	[tilespmem:$0x1F000] =	vst v63  }
0x52: {  	_ =	swait.ge [sflag:s9], $0x4000  }
0x53: {  	[sflag:s9] =	ssyncset.done $0x0  }
0x54: {  	s15 =	simm.s32 $0x180;
	s14 =	simm.s32 $0x400;
	[sflag:s9] =	ssyncadd.s32 $0xFFFFC000  }
.LBB2_4:
0x55: {  	[tilespmem:s11], [sflag:$0x2] =	stream.indirect.gather [hbm4b:s4+s10], $0x80, s15, s10, $0xb8;
	[tilespmem:$0x1F000] =	vst v63  }
0x56: {  	s15 =	smov.u32 s14  }
0x57: {  	p0 =	sne.s32 s14, $0x4800;
	s14 =	sadd.s32 $0x400, s14;
	_ =	swait.ge [sflag:s12], $0x4000  }
0x58: {  	s15 =	sshra.s32 s15, $0x2;
	[sflag:s12] =	ssyncset.done $0x0  }
0x59: {  	s16 =	sadd.s32 $0x1400, s15;
	[sflag:s12] =	ssyncadd.s32 $0xFFFFC000  }
0x5a: {  	[spmem:s2] =	stream.indirect.scatter.add.f32 [tilespmem:s8], [sflag:$0x3], $0x80, s16, s10, $0xb8;
	[tilespmem:$0x1F000] =	vst v63  }
0x5b: {  	_ =	swait.ge [sflag:s9], $0x4000  }
0x5c: {  	[sflag:s9] =	ssyncset.done $0x0  }
0x5d: {  	s16 =	sadd.s32 $0x100, s15;
	[sflag:s9] =	ssyncadd.s32 $0xFFFFC000  }
0x5e: {  	[tilespmem:s8], [sflag:$0x1] =	stream.indirect.gather [hbm4b:s4+s10], $0x80, s16, s10, $0xb8;
	[tilespmem:$0x1F000] =	vst v63  }
0x5f: {  	_ =	swait.ge [sflag:s13], $0x4000  }
0x60: {  	[sflag:s13] =	ssyncset.done $0x0  }
.Ltmp2:
0x61: {  	s16 =	sadd.s32 $0x1480, s15;
	[sflag:s13] =	ssyncadd.s32 $0xFFFFC000;
	(pc) =	sbr.rel @p0 .LBB2_4-.Ltmp2, $4  }
0x62: {  	[spmem:s2] =	stream.indirect.scatter.add.f32 [tilespmem:s11], [sflag:$0x3], $0x80, s16, s10, $0xb8;
	[tilespmem:$0x1F000] =	vst v63  }
0x63: {  	_ =	swait.ge [sflag:s9], $0x4000  }
0x64: {  	[sflag:s9] =	ssyncset.done $0x0  }
0x65: {  	s15 =	sadd.s32 $0x180, s15;
	[sflag:s9] =	ssyncadd.s32 $0xFFFFC000  }
0x66: {  	[tilespmem:s11], [sflag:$0x2] =	stream.indirect.gather [hbm4b:s4+s10], $0x80, s15, s10, $0xb8;
	[tilespmem:$0x1F000] =	vst v63  }
0x67: {  	s8 =	simm.s32 $0x1  }
0x68: {  	_ =	swait.ge [sflag:s8], $0x4000  }
0x69: {  	s9 =	simm.s32 $0x80;
	s25 =	simm.s32 $0x2700;
	[sflag:s8] =	ssyncset.done $0x0  }
0x6a: {  	s10 =	simm.s32 $0x2800;
	s11 =	simm.s32 $0x3;
	[sflag:s8] =	ssyncadd.s32 $0xFFFFC000  }
0x6b: {  	[spmem:s2] =	stream.indirect.scatter.add.f32 [tilespmem:s10], [sflag:$0x3], $0x80, s25, s9, $0xb8;
	[tilespmem:$0x1F000] =	vst v63  }
0x6c: {  	_ =	swait.ge [sflag:s11], $0x4000  }
0x6d: {  	[sflag:s11] =	ssyncset.done $0x0  }
0x6e: {  	s12 =	simm.s32 $0x2;
	[sflag:s11] =	ssyncadd.s32 $0xFFFFC000  }
0x6f: {  	_ =	swait.ge [sflag:s12], $0x4000  }
0x70: {  	[sflag:s12] =	ssyncset.done $0x0  }
0x71: {  	s14 =	simm.s32 $0x2780;
	s13 =	simm.s32 $0x6800;
	[sflag:s12] =	ssyncadd.s32 $0xFFFFC000  }
0x72: {  	[spmem:s2] =	stream.indirect.scatter.add.f32 [tilespmem:s13], [sflag:$0x3], $0x80, s14, s9, $0xb8;
	[tilespmem:$0x1F000] =	vst v63  }
0x73: {  	_ =	swait.ge [sflag:s11], $0x4000  }
0x74: {  	[sflag:s11] =	ssyncset.done $0x0  }
0x75: {  	s26 =	simm.s32 $0x0;
	[sflag:s11] =	ssyncadd.s32 $0xFFFFC000  }
0x76: {  	[tilespmem:s26], [sflag:$0x3] =	stream.linear.gather [hbm4b:s7+s26], $0x1400, $0x38;
	[tilespmem:$0x1F000] =	vst v63  }
0x77: {  	_ =	swait.ge [sflag:s11], $0x1400  }
0x78: {  	[sflag:s11] =	ssyncset.done $0x0  }
0x79: {  	s28 =	simm.s32 $0x1400;
	[sflag:s11] =	ssyncadd.s32 $0xFFFFEC00  }
0x7a: {  	[tilespmem:s28], [sflag:$0x3] =	stream.linear.gather [hbm4b:s6+s26], $0x1400, $0x38;
	[tilespmem:$0x1F000] =	vst v63  }
0x7b: {  	_ =	swait.ge [sflag:s11], $0x1400  }
0x7c: {  	[sflag:s11] =	ssyncset.done $0x0  }
0x7d: {  	[sflag:s11] =	ssyncadd.s32 $0xFFFFEC00  }
0x7e: {  	[tilespmem:s10], [sflag:$0x1] =	stream.indirect.gather [hbm4b:s4+s9], $0x80, s26, s9, $0xb8;
	[tilespmem:$0x1F000] =	vst v63  }
0x7f: {  	_ = 	snop  }
0x80: {  	[tilespmem:s13], [sflag:$0x2] =	stream.indirect.gather [hbm4b:s4+s9], $0x80, s9, s9, $0xb8;
	[tilespmem:$0x1F000] =	vst v63  }
0x81: {  	_ =	swait.ge [sflag:s8], $0x4000  }
0x82: {  	[sflag:s8] =	ssyncset.done $0x0  }
0x83: {  	s29 =	simm.s32 $0x1400;
	[sflag:s8] =	ssyncadd.s32 $0xFFFFC000  }
0x84: {  	[spmem:s2] =	stream.indirect.scatter.add.f32 [tilespmem:s10], [sflag:$0x3], $0x80, s29, s9, $0xb8;
	[tilespmem:$0x1F000] =	vst v63  }
0x85: {  	_ =	swait.ge [sflag:s11], $0x4000  }
0x86: {  	[sflag:s11] =	ssyncset.done $0x0  }
0x87: {  	s30 =	simm.s32 $0x100;
	[sflag:s11] =	ssyncadd.s32 $0xFFFFC000  }
0x88: {  	[tilespmem:s10], [sflag:$0x1] =	stream.indirect.gather [hbm4b:s4+s9], $0x80, s30, s9, $0xb8;
	[tilespmem:$0x1F000] =	vst v63  }
0x89: {  	_ =	swait.ge [sflag:s12], $0x4000  }
0x8a: {  	[sflag:s12] =	ssyncset.done $0x0  }
0x8b: {  	s31 =	simm.s32 $0x1480;
	[sflag:s12] =	ssyncadd.s32 $0xFFFFC000  }
0x8c: {  	[spmem:s2] =	stream.indirect.scatter.add.f32 [tilespmem:s13], [sflag:$0x3], $0x80, s31, s9, $0xb8;
	[tilespmem:$0x1F000] =	vst v63  }
0x8d: {  	_ =	swait.ge [sflag:s11], $0x4000  }
0x8e: {  	[sflag:s11] =	ssyncset.done $0x0  }
0x8f: {  	s7 =	simm.s32 $0x180;
	s6 =	simm.s32 $0x400;
	[sflag:s11] =	ssyncadd.s32 $0xFFFFC000  }
.LBB2_6:
0x90: {  	[tilespmem:s13], [sflag:$0x2] =	stream.indirect.gather [hbm4b:s4+s9], $0x80, s7, s9, $0xb8;
	[tilespmem:$0x1F000] =	vst v63  }
0x91: {  	s7 =	smov.u32 s6  }
0x92: {  	p0 =	sne.s32 s6, $0x4800;
	s6 =	sadd.s32 $0x400, s6;
	_ =	swait.ge [sflag:s8], $0x4000  }
0x93: {  	s7 =	sshra.s32 s7, $0x2;
	[sflag:s8] =	ssyncset.done $0x0  }
0x94: {  	s14 =	sadd.s32 $0x1400, s7;
	[sflag:s8] =	ssyncadd.s32 $0xFFFFC000  }
0x95: {  	[spmem:s2] =	stream.indirect.scatter.add.f32 [tilespmem:s10], [sflag:$0x3], $0x80, s14, s9, $0xb8;
	[tilespmem:$0x1F000] =	vst v63  }
0x96: {  	_ =	swait.ge [sflag:s11], $0x4000  }
0x97: {  	[sflag:s11] =	ssyncset.done $0x0  }
0x98: {  	s14 =	sadd.s32 $0x100, s7;
	[sflag:s11] =	ssyncadd.s32 $0xFFFFC000  }
0x99: {  	[tilespmem:s10], [sflag:$0x1] =	stream.indirect.gather [hbm4b:s4+s9], $0x80, s14, s9, $0xb8;
	[tilespmem:$0x1F000] =	vst v63  }
0x9a: {  	_ =	swait.ge [sflag:s12], $0x4000  }
0x9b: {  	[sflag:s12] =	ssyncset.done $0x0  }
.Ltmp3:
0x9c: {  	s14 =	sadd.s32 $0x1480, s7;
	[sflag:s12] =	ssyncadd.s32 $0xFFFFC000;
	(pc) =	sbr.rel @p0 .LBB2_6-.Ltmp3, $4  }
0x9d: {  	[spmem:s2] =	stream.indirect.scatter.add.f32 [tilespmem:s13], [sflag:$0x3], $0x80, s14, s9, $0xb8;
	[tilespmem:$0x1F000] =	vst v63  }
0x9e: {  	_ =	swait.ge [sflag:s11], $0x4000  }
0x9f: {  	[sflag:s11] =	ssyncset.done $0x0  }
0xa0: {  	s7 =	sadd.s32 $0x180, s7;
	[sflag:s11] =	ssyncadd.s32 $0xFFFFC000  }
0xa1: {  	[tilespmem:s13], [sflag:$0x2] =	stream.indirect.gather [hbm4b:s4+s9], $0x80, s7, s9, $0xb8;
	[tilespmem:$0x1F000] =	vst v63  }
0xa2: {  	s24 =	simm.s32 $0x1  }
0xa3: {  	_ =	swait.ge [sflag:s24], $0x4000  }
0xa4: {  	s25 =	simm.s32 $0x80;
	s6 =	simm.s32 $0x2700;
	[sflag:s24] =	ssyncset.done $0x0  }
0xa5: {  	s26 =	simm.s32 $0x2800;
	s28 =	simm.s32 $0x3;
	[sflag:s24] =	ssyncadd.s32 $0xFFFFC000  }
0xa6: {  	[spmem:s2] =	stream.indirect.scatter.add.f32 [tilespmem:s26], [sflag:$0x3], $0x80, s6, s25, $0xb8;
	[tilespmem:$0x1F000] =	vst v63  }
0xa7: {  	_ =	swait.ge [sflag:s28], $0x4000  }
0xa8: {  	[sflag:s28] =	ssyncset.done $0x0  }
0xa9: {  	s29 =	simm.s32 $0x2;
	[sflag:s28] =	ssyncadd.s32 $0xFFFFC000  }
0xaa: {  	_ =	swait.ge [sflag:s29], $0x4000  }
0xab: {  	[sflag:s29] =	ssyncset.done $0x0  }
0xac: {  	s30 =	simm.s32 $0x2780;
	s8 =	simm.s32 $0x6800;
	[sflag:s29] =	ssyncadd.s32 $0xFFFFC000  }
0xad: {  	[spmem:s2] =	stream.indirect.scatter.add.f32 [tilespmem:s8], [sflag:$0x3], $0x80, s30, s25, $0xb8;
	[tilespmem:$0x1F000] =	vst v63  }
0xae: {  	_ =	swait.ge [sflag:s28], $0x4000  }
0xaf: {  	[sflag:s28] =	ssyncset.done $0x0  }
0xb0: {  	s31 =	sshll.u32 s1, $0x6;
	[sflag:s28] =	ssyncadd.s32 $0xFFFFC000  }
0xb1: {  	s3 =	sshrl.u32 s3, $0x3;
	s2 =	sor.u32 $0x1C03, s31;
	[bflag:$0x0] =	sbarrier.arrive $0xFFFF  }
0xb2: {  	[hbm:s5], [sflag:s2] =	dma.local [spmem:s3], $0x2900  }
0xb3: {  	_ =	swait.ge [sflag:s28], $0x2900  }
0xb4: {  	[sflag:s28] =	ssyncset.done $0x0  }
0xb5: {  	[sflag:s28] =	ssyncadd.s32 $0xFFFFD700  }
.LBB2_8:
0xb6: {  	_ =	sfence.sel $0x180000  }
0xb7: {  	[bflag:$0x0] =	sbarrier.arrive $0xFFFF  }
0xb8: {  	p0 =	sne.s32 s1, $0x0;
	_ =	strace $0x90000050  }
0xb9: {  	s0 =	sadd.s32 @!p0 $0x100000, s0;
	[bflag:$0x2] =	sbarrier.arrive $0xFFFF  }
0xba: {  	[sflag:s0] =	ssyncadd.tile.s32 @!p0 $0x1;
	_ =	shalt  }
.Lfunc_end2:
_tile_overlayer_lowered:
.L_overlay_start_2:
0xbb: {  	(tag) =	ssettag $0x2  }
0xbc: {  	s0 =	rddreg [dreg:$0x0];
	s2 =	stileid.u32  }
0xbd: {  	s1 =	rddreg [dreg:$0x1];
	p0 =	sne.s32 s2, $0x0  }
0xbe: {  	s3 =	rddreg [dreg:$0x2];
	[bflag:$0x3] =	sbarrier.arrive $0xFFFF;
	s2 =	simm.s32 @!p0 $0x1C03  }
0xbf: {  	[timem:s3], [sflag:s2] =	dma.local @!p0 [hbm:s0], s1  }
0xc0: {  	s0 =	simm.s32 @!p0 $0x3  }
0xc1: {  	_ =	swait.ge @!p0 [sflag:s0], s1  }
0xc2: {  	s1 =	ssub.s32 @!p0 $0x0, s1;
	[sflag:s0] =	ssyncset.done @!p0 $0x0  }
0xc3: {  	[sflag:s0] =	ssyncadd.s32 @!p0 s1  }
0xc4: {  	[bflag:$0x3] =	sbarrier.arrive $0xFFFF  }
0xc5: {  	_ =	shalt  }

// kernel: kernel.9.cloned.1.call-start
scs
__scs_entry_jumppad:
0x0: {  	(pc) =	sbr.rel $0x88, $3  }
0x1: {  	(tag) =	ssettag $0x0;
	lr =	simm.s32 $0x1  }
0x2: {  	[smem:$0x3F9D] =	sst lr;
	_ =	strace $0xD0000000  }
0x3: {  	_ = 	snop  }
0x4: {  	_ = 	snop  }
0x5: {  	_ = 	snop  }
0x6: {  	_ = 	snop  }
0x7: {  	_ = 	snop  }
__scs_overlays_trampoline_lowered:
0x8: {  	[smem:$0x3FAC] =	sst s0  }
0x9: {  	[smem:$0x3FAD] =	sst s1  }
0xa: {  	[smem:$0x3FAE] =	sst s2  }
0xb: {  	[smem:$0x3FAF] =	sst s3  }
0xc: {  	[smem:$0x3FB0] =	sst s4  }
0xd: {  	[smem:$0x3FB1] =	sst s5  }
0xe: {  	[smem:$0x3FB2] =	sst s6  }
0xf: {  	[smem:$0x3FB3] =	sst s7  }
0x10: {  	[smem:$0x3FB4] =	sst s8  }
0x11: {  	[smem:$0x3FB5] =	sst s9;
	s0 =	simm.s32 @!p0 $0x0  }
0x12: {  	s1 =	sld [smem:$0x3F9B];
	s0 =	simm.s32 @p0 $0x1  }
0x13: {  	[smem:$0x3FB6] =	sst s0;
	s0 =	simm.s32 @!p1 $0x0  }
0x14: {  	s2 =	sld [smem:$0x3F9A];
	s0 =	simm.s32 @p1 $0x1  }
0x15: {  	[smem:$0x3FB7] =	sst s0;
	s0 =	simm.s32 @!p2 $0x0  }
0x16: {  	s3 =	sld [smem:$0x3FDB];
	s0 =	simm.s32 @p2 $0x1  }
0x17: {  	s4 =	simm.s32 $0x1BF5;
	[smem:$0x3FB9] =	sst s0  }
0x18: {  	s0 =	sld [smem:$0x3F9C];
	_ =	swait.ge [sflag:s4], $0x0  }
0x19: {  	s7 =	sld [smem:$0x3F9D]  }
0x1a: {  	s8 =	sadd.s32 $0xFFFFE003, lr  }
0x1b: {  	s9 =	sadd.s32 $0xFFFFFEF7, lr;
	s5 =	simm.s32 $0xFFFFFFFF;
	p2 =	slt.u32 s8, $0xFFFFF086  }
0x1c: {  	p1 =	slt.u32 s9, $0xF7A;
	s5 =	simm.s32 @!p2 $0x0  }
0x1d: {  	s5 =	simm.s32 @p1 $0x1;
	p0 =	seq.s32 s7, s2  }
0x1e: {  	s7 =	smul.u32 @!p0 $0xF7A, s2;
	p2 =	seq.s32 @!p0 s5, $0x0  }
0x1f: {  	s9 =	smul.u32 $0xF7A, s1;
	s8 =	simm.s32 @!p0 $0x1BF5;
	p2 =	por !p2, p0  }
0x20: {  	[sflag:s8] =	ssyncset.s32 @!p0 $0xFFFFF086;
	s6 =	sadd.s32 @!p0 s3, s7;
	s7 =	simm.s32 @!p0 $0x108  }
0x21: {  	s3 =	sadd.s32 s3, s9;
	s6 =	sadd.s32 @!p0 $0x88, s6;
	s7 =	simm.s32 @p2 $0x1082  }
0x22: {  	[simem:s7], [sflag:s8] =	dma.local @!p0 [hbm:s6], $0xF7A  }
0x23: {  	s9 =	sor.u32 $0xD0000000, s2;
	s6 =	simm.s32 $0x108;
	_ =	swait.ge @!p0 [sflag:s8], $0x0  }
0x24: {  	s3 =	sadd.s32 $0x88, s3;
	s6 =	simm.s32 @!p1 $0x1082;
	[sflag:s4] =	ssyncset.s32 $0xFFFFF086  }
0x25: {  	[simem:s6], [sflag:s4] =	dma.local [hbm:s3], $0xF7A  }
0x26: {  	[smem:$0x3F9D] =	sst s1;
	(tag) =	ssettag s2;
	_ =	strace s9  }
0x27: {  	s1 =	sld [smem:$0x3FAD]  }
0x28: {  	s2 =	sld [smem:$0x3FAE]  }
0x29: {  	s4 =	sld [smem:$0x3FB0]  }
0x2a: {  	p0 =	seq.s32 s5, $0x0;
	s5 =	sld [smem:$0x3FB1]  }
0x2b: {  	s6 =	sld [smem:$0x3FB2]  }
0x2c: {  	s7 =	sld [smem:$0x3FB3]  }
0x2d: {  	s3 =	simm.s32 $0x108;
	s8 =	sld [smem:$0x3FB4]  }
0x2e: {  	s3 =	simm.s32 @!p0 $0x1082;
	s9 =	sld [smem:$0x3FB5]  }
0x2f: {  	lr =	sadd.s32 s0, s3;
	s0 =	sld [smem:$0x3FAC]  }
0x30: {  	s3 =	sld [smem:$0x3FAF]  }
0x31: {  	[smem:$0x3FB8] =	sst s10  }
0x32: {  	s10 =	sld [smem:$0x3FB6];
	_ =	sdelay $0x3  }
0x33: {  	p0 =	seq.s32 s10, $0x1;
	s10 =	sld [smem:$0x3FB8];
	_ =	sdelay $0x3  }
0x34: {  	[smem:$0x3FB8] =	sst s10  }
0x35: {  	s10 =	sld [smem:$0x3FB7];
	_ =	sdelay $0x3  }
0x36: {  	p1 =	seq.s32 s10, $0x1;
	s10 =	sld [smem:$0x3FB8];
	_ =	sdelay $0x3  }
0x37: {  	[smem:$0x3FB8] =	sst s10  }
0x38: {  	s10 =	sld [smem:$0x3FB9]  }
0x39: {  	_ = 	snop;
	(pc) =	sbr.ind lr, $3  }
0x3a: {  	_ = 	snop  }
0x3b: {  	_ = 	snop  }
0x3c: {  	p2 =	seq.s32 s10, $0x1;
	s10 =	sld [smem:$0x3FB8]  }
0x3d: {  	_ =	shalt  }
0x3e: {  	_ =	shalt  }
0x3f: {  	_ =	shalt  }
0x40: {  	_ =	shalt  }
0x41: {  	_ =	shalt  }
0x42: {  	_ =	shalt  }
0x43: {  	_ =	shalt  }
0x44: {  	_ =	shalt  }
0x45: {  	_ =	shalt  }
0x46: {  	_ =	shalt  }
0x47: {  	_ =	shalt  }
0x48: {  	_ =	shalt  }
0x49: {  	_ =	shalt  }
0x4a: {  	_ =	shalt  }
0x4b: {  	_ =	shalt  }
0x4c: {  	_ =	shalt  }
0x4d: {  	_ =	shalt  }
0x4e: {  	_ =	shalt  }
0x4f: {  	_ =	shalt  }
0x50: {  	_ =	shalt  }
0x51: {  	_ =	shalt  }
0x52: {  	_ =	shalt  }
0x53: {  	_ =	shalt  }
0x54: {  	_ =	shalt  }
0x55: {  	_ =	shalt  }
0x56: {  	_ =	shalt  }
0x57: {  	_ =	shalt  }
0x58: {  	_ =	shalt  }
0x59: {  	_ =	shalt  }
0x5a: {  	_ =	shalt  }
0x5b: {  	_ =	shalt  }
0x5c: {  	_ =	shalt  }
0x5d: {  	_ =	shalt  }
0x5e: {  	_ =	shalt  }
0x5f: {  	_ =	shalt  }
0x60: {  	_ =	shalt  }
0x61: {  	_ =	shalt  }
0x62: {  	_ =	shalt  }
0x63: {  	_ =	shalt  }
0x64: {  	_ =	shalt  }
0x65: {  	_ =	shalt  }
0x66: {  	_ =	shalt  }
0x67: {  	_ =	shalt  }
0x68: {  	_ =	shalt  }
0x69: {  	_ =	shalt  }
0x6a: {  	_ =	shalt  }
0x6b: {  	_ =	shalt  }
0x6c: {  	_ =	shalt  }
0x6d: {  	_ =	shalt  }
0x6e: {  	_ =	shalt  }
0x6f: {  	_ =	shalt  }
0x70: {  	_ =	shalt  }
0x71: {  	_ =	shalt  }
0x72: {  	_ =	shalt  }
0x73: {  	_ =	shalt  }
0x74: {  	_ =	shalt  }
0x75: {  	_ =	shalt  }
0x76: {  	_ =	shalt  }
0x77: {  	_ =	shalt  }
0x78: {  	_ =	shalt  }
0x79: {  	_ =	shalt  }
0x7a: {  	_ =	shalt  }
0x7b: {  	_ =	shalt  }
0x7c: {  	_ =	shalt  }
0x7d: {  	_ =	shalt  }
0x7e: {  	_ =	shalt  }
0x7f: {  	_ =	shalt  }
0x80: {  	_ =	shalt  }
0x81: {  	_ =	shalt  }
0x82: {  	_ =	shalt  }
0x83: {  	_ =	shalt  }
0x84: {  	_ =	shalt  }
0x85: {  	_ =	shalt  }
0x86: {  	_ =	shalt  }
0x87: {  	_ =	shalt  }
.Lfunc_end0:
.L_simem_size_0:
called_computation.3_lowered:
.L_overlay_start_0:
0x88: {  	s2 =	sld [smem:$0x3FD9]  }
0x89: {  	s3 =	sld [smem:$0x3FFE];
	_ =	sdelay $0x1  }
0x8a: {  	s1 =	srdreg.scid  }
0x8b: {  	s0 =	sand.u32 $0x1, s1  }
0x8c: {  	s17 =	sshll.u32 s0, $0xA;
	s2 =	sadd.s32 s3, s2  }
0x8d: {  	s2 =	sadd.s32 s2, s17  }
0x8e: {  	[smem:$0x3FC4] =	sst s2  }
0x8f: {  	_ = 	snop  }
0x90: {  	s2 =	sld [smem:$0x3FD0];
	(tm) =	ssettm $0x1  }
0x91: {  	s18 =	sld [smem:$0x3FFB];
	_ =	sdelay $0x3  }
0x92: {  	_ =	strace s18  }
0x93: {  	s3 =	sld [smem:$0x3FFC];
	_ =	sdelay $0x3  }
0x94: {  	_ =	strace s3  }
0x95: {  	s3 =	sld [smem:$0x3FFD];
	_ =	sdelay $0x3  }
0x96: {  	_ =	strace s3  }
0x97: {  	_ =	strace $0x8FFFFFFF  }
0x98: {  	s19 =	sld [smem:$0x3FDB];
	_ =	sdelay $0x1  }
0x99: {  	s4 =	simm.s32 $_scs_section_size  }
0x9a: {  	s5 =	simm.s32 $_size__tile_overlayer_lowered;
	s6 =	simm.s32 $_tile_overlayer_lowered  }
0x9b: {  	s22 =	simm.s32 $0x1BFF;
	s21 =	sshll.u32 s6, $0x1;
	s3 =	sadd.s32 s4, s19  }
0x9c: {  	s7 =	simm.s32 $0x0;
	s20 =	sshll.u32 s5, $0x1;
	s5 =	sadd.s32 s21, s3  }
0x9d: {  	[timem:s7], [sflag:s22] =	dma.local [hbm:s5], s20  }
0x9e: {  	_ =	swait.ge [sflag:s22], s20  }
0x9f: {  	s4 =	ssub.s32 $0x0, s20;
	[sflag:s22] =	ssyncset.done $0x0  }
0xa0: {  	[sflag:s22] =	ssyncadd.s32 s4;
	_ =	sdelay $0x1  }
0xa1: {  	s23 =	simm.s32 $0x1B8B  }
0xa2: {  	_ =	swait.ge [sflag:s23], $0x1  }
0xa3: {  	[sflag:s23] =	ssyncset.done $0x0  }
0xa4: {  	s25 =	simm.s32 $0x1B8E;
	s24 =	sld [smem:$0x3FFE];
	[sflag:s23] =	ssyncadd.s32 $0xFFFFFFFF  }
0xa5: {  	s26 =	simm.s32 $execute0_lowered;
	[smem:$0x3FD2] =	sst s25  }
0xa6: {  	s5 =	sshll.u32 s26, $0x1;
	_ =	strace $0x8000004C;
	[dreg:$0x1] =	wrdreg $0xFFFFFFFF  }
0xa7: {  	s28 =	simm.s32 $_size_execute0_lowered;
	s3 =	sadd.s32 s3, s5;
	[dreg:$0x0] =	wrdreg $0x0  }
0xa8: {  	s5 =	sshll.u32 s28, $0x1;
	[dreg:$0x2] =	wrdreg s3  }
0xa9: {  	[dreg:$0x3] =	wrdreg s5  }
0xaa: {  	[dreg:$0x4] =	wrdreg $0xC0  }
0xab: {  	_ =	task [dreg:s7], $0x5FFFF  }
0xac: {  	[dreg:$0x1] =	wrdreg $0xFFFFFFFF  }
0xad: {  	[dreg:$0x0] =	wrdreg $0x60  }
0xae: {  	[dreg:$0x2] =	wrdreg s2  }
0xaf: {  	[dreg:$0x3] =	wrdreg s24  }
0xb0: {  	[dreg:$0x4] =	wrdreg $0xA8000  }
0xb1: {  	[dreg:$0x5] =	wrdreg $0xA  }
0xb2: {  	_ =	task.clear_ibuf [dreg:s7], $0x6FFFF;
	_ =	strace $0x9000004C  }
0xb3: {  	s29 =	simm.s32 $0xA;
	_ =	strace $0x8000004E  }
0xb4: {  	_ =	swait.ge [sflag:s29], $0x1  }
0xb5: {  	[sflag:s29] =	ssyncadd.s32 $0xFFFFFFFF  }
0xb6: {  	_ =	strace $0x9000004E  }
0xb7: {  	_ =	sfence  }
0xb8: {  	s30 =	sld [smem:$0x0];
	_ =	sdelay $0x2  }
0xb9: {  	s31 =	sshll.u32 s1, $0xD;
	s1 =	sshrl.u32 s1, $0x2  }
0xba: {  	s3 =	sand.u32 $0x4000, s31;
	s1 =	sadd.s32 s1, s30  }
0xbb: {  	s0 =	sor.u32 s3, s0;
	s1 =	sshll.u32 s1, $0x11  }
0xbc: {  	s0 =	sor.u32 s1, s0  }
0xbd: {  	s0 =	sadd.s32 $0x8F2B, s0  }
0xbe: {  	[sflag:s0] =	ssyncadd.remote.s32 $0x1  }
0xbf: {  	_ =	sfence.sel $0xFFFF  }
0xc0: {  	[dreg:$0x0] =	wrdreg $0xFFFFFFFF;
	(pc) =	sbr.abs _section_cstart, $3  }
0xc1: {  	[dreg:$0x1] =	wrdreg $0xFFFFFFFF  }
0xc2: {  	_ =	task.clear_ibuf [dreg:s7], $0x2FFFF;
	_ =	strace $0x9FFFFFFF  }
0xc3: {  	(tm) =	ssettm $0x7FFFFFFF  }
tec
execute0_lowered:
.L_overlay_start_1:
0x0: {  	(tag) =	ssettag $0x1  }
0x1: {  	s1 =	srdreg.scid  }
0x2: {  	s1 =	sand.u32 $0x1, s1  }
0x3: {  	p0 =	seq.s32 s1, $0x1  }
.Ltmp0:
0x4: {  	s4 =	rddreg [dreg:$0x0];
	(pc) =	sbr.rel @p0 .LBB2_8-.Ltmp0, $4  }
0x5: {  	s3 =	rddreg [dreg:$0x1]  }
0x6: {  	s2 =	rddreg [dreg:$0x2];
	s5 =	simm.s32 $0x0  }
0x7: {  	[smem:$0x7FF] =	sst s5  }
0x8: {  	s0 =	rddreg [dreg:$0x3];
	_ =	strace $0x8000004D;
	s1 =	stileid.u32  }
0x9: {  	s5 =	smul.u32 $0x52000, s1  }
0xa: {  	s6 =	smul.u32 $0x2900, s1  }
0xb: {  	s30 =	smul.u32 $0x2800, s1  }
0xc: {  	s7 =	sadd.s32 $0x29A00, s3;
	s8 =	sadd.s32 $0x1FA00, s3  }
0xd: {  	s5 =	sshrl.u32 s5, $0x2;
	s6 =	sadd.s32 s6, s3;
	s9 =	sshrl.u32 s30, $0x3  }
0xe: {  	s3 =	sadd.s32 s5, s2;
	s5 =	sadd.s32 $0x33A00, s6;
	s31 =	sadd.s32 $0x5000, s9  }
0xf: {  	s9 =	sadd.s32 $0x5280, s9;
	s16 =	sadd.s32 $0x4000, s3;
	s15 =	sadd.s32 $0x8000, s3  }
0x10: {  	s14 =	sadd.s32 $0xC000, s3;
	s13 =	sadd.s32 $0x10000, s3;
	s12 =	sadd.s32 $0x14000, s3  }
0x11: {  	s11 =	sadd.s32 s7, s31;
	s10 =	sadd.s32 s8, s31;
	s7 =	sadd.s32 s7, s9  }
0x12: {  	v0 =	vimm.f32 $0.0e+00;
	s6 =	sadd.s32 s8, s9;
	s8 =	simm.s32 $0x0;
	s9 =	simm.s32 $0x200  }
.LBB2_2:
0x13: {  	p0 =	sne.s32 s9, $0xFE00;
	[tilespmem:s8+$0x2870] =	vst v0  }
0x14: {  	[tilespmem:s8+$0x2800] =	vst v0  }
0x15: {  	[tilespmem:s8+$0x2810] =	vst v0  }
.Ltmp1:
0x16: {  	[tilespmem:s8+$0x2820] =	vst v0;
	(pc) =	sbr.rel @p0 .LBB2_2-.Ltmp1, $4  }
0x17: {  	[tilespmem:s8+$0x2830] =	vst v0  }
0x18: {  	[tilespmem:s8+$0x2840] =	vst v0  }
0x19: {  	[tilespmem:s8+$0x2850] =	vst v0  }
0x1a: {  	[tilespmem:s8+$0x2860] =	vst v0;
	s8 =	sshra.s32 s9, $0x2;
	s9 =	sadd.s32 $0x200, s9  }
0x1b: {  	[tilespmem:s8+$0x2870] =	vst v0  }
0x1c: {  	[tilespmem:s8+$0x2800] =	vst v0  }
0x1d: {  	[tilespmem:s8+$0x2810] =	vst v0  }
0x1e: {  	[tilespmem:s8+$0x2820] =	vst v0  }
0x1f: {  	[tilespmem:s8+$0x2830] =	vst v0  }
0x20: {  	[tilespmem:s8+$0x2840] =	vst v0  }
0x21: {  	[tilespmem:s8+$0x2850] =	vst v0  }
0x22: {  	[tilespmem:s8+$0x2860] =	vst v0;
	s8 =	simm.s32 $0x2800;
	s9 =	simm.s32 $0x3  }
0x23: {  	[spmem:s3] =	stream.linear.scatter [tilespmem:s8], [sflag:$0x3], $0x4000, $0x38;
	[tilespmem:$0x1F000] =	vst v63  }
0x24: {  	_ =	swait.ge [sflag:s9], $0x4000  }
0x25: {  	[sflag:s9] =	ssyncset.done $0x0  }
0x26: {  	[sflag:s9] =	ssyncadd.s32 $0xFFFFC000  }
0x27: {  	[spmem:s16] =	stream.linear.scatter [tilespmem:s8], [sflag:$0x3], $0x4000, $0x38;
	[tilespmem:$0x1F000] =	vst v63  }
0x28: {  	_ =	swait.ge [sflag:s9], $0x4000  }
0x29: {  	[sflag:s9] =	ssyncset.done $0x0  }
0x2a: {  	[sflag:s9] =	ssyncadd.s32 $0xFFFFC000  }
0x2b: {  	[spmem:s15] =	stream.linear.scatter [tilespmem:s8], [sflag:$0x3], $0x4000, $0x38;
	[tilespmem:$0x1F000] =	vst v63  }
0x2c: {  	_ =	swait.ge [sflag:s9], $0x4000  }
0x2d: {  	[sflag:s9] =	ssyncset.done $0x0  }
0x2e: {  	[sflag:s9] =	ssyncadd.s32 $0xFFFFC000  }
0x2f: {  	[spmem:s14] =	stream.linear.scatter [tilespmem:s8], [sflag:$0x3], $0x4000, $0x38;
	[tilespmem:$0x1F000] =	vst v63  }
0x30: {  	_ =	swait.ge [sflag:s9], $0x4000  }
0x31: {  	[sflag:s9] =	ssyncset.done $0x0  }
0x32: {  	[sflag:s9] =	ssyncadd.s32 $0xFFFFC000  }
0x33: {  	[spmem:s13] =	stream.linear.scatter [tilespmem:s8], [sflag:$0x3], $0x4000, $0x38;
	[tilespmem:$0x1F000] =	vst v63  }
0x34: {  	_ =	swait.ge [sflag:s9], $0x4000  }
0x35: {  	[sflag:s9] =	ssyncset.done $0x0  }
0x36: {  	[sflag:s9] =	ssyncadd.s32 $0xFFFFC000  }
0x37: {  	[spmem:s12] =	stream.linear.scatter [tilespmem:s8], [sflag:$0x3], $0x800, $0x38;
	[tilespmem:$0x1F000] =	vst v63  }
0x38: {  	_ =	swait.ge [sflag:s9], $0x800  }
0x39: {  	[sflag:s9] =	ssyncset.done $0x0  }
0x3a: {  	[sflag:s9] =	ssyncadd.s32 $0xFFFFF800  }
0x3b: {  	s26 =	simm.s32 $0x0;
	[bflag:$0x0] =	sbarrier.arrive $0xFFFF  }
0x3c: {  	[tilespmem:s26], [sflag:$0x3] =	stream.linear.gather [hbm4b:s11+s26], $0x1400, $0x38;
	[tilespmem:$0x1F000] =	vst v63  }
0x3d: {  	_ =	swait.ge [sflag:s9], $0x1400  }
0x3e: {  	[sflag:s9] =	ssyncset.done $0x0  }
0x3f: {  	s28 =	simm.s32 $0x1400;
	[sflag:s9] =	ssyncadd.s32 $0xFFFFEC00  }
0x40: {  	[tilespmem:s28], [sflag:$0x3] =	stream.linear.gather [hbm4b:s10+s26], $0x1400, $0x38;
	[tilespmem:$0x1F000] =	vst v63  }
0x41: {  	_ =	swait.ge [sflag:s9], $0x1400  }
0x42: {  	[sflag:s9] =	ssyncset.done $0x0  }
0x43: {  	s10 =	simm.s32 $0x80;
	[sflag:s9] =	ssyncadd.s32 $0xFFFFEC00  }
0x44: {  	[tilespmem:s8], [sflag:$0x1] =	stream.indirect.gather [hbm4b:s4+s10], $0x80, s26, s10, $0xb8;
	[tilespmem:$0x1F000] =	vst v63  }
0x45: {  	s12 =	simm.s32 $0x1;
	s11 =	simm.s32 $0x6800  }
0x46: {  	[tilespmem:s11], [sflag:$0x2] =	stream.indirect.gather [hbm4b:s4+s10], $0x80, s10, s10, $0xb8;
	[tilespmem:$0x1F000] =	vst v63  }
0x47: {  	_ =	swait.ge [sflag:s12], $0x4000  }
0x48: {  	[sflag:s12] =	ssyncset.done $0x0  }
0x49: {  	s29 =	simm.s32 $0x1400;
	[sflag:s12] =	ssyncadd.s32 $0xFFFFC000  }
0x4a: {  	[spmem:s2] =	stream.indirect.scatter.add.f32 [tilespmem:s8], [sflag:$0x3], $0x80, s29, s10, $0xb8;
	[tilespmem:$0x1F000] =	vst v63  }
0x4b: {  	_ =	swait.ge [sflag:s9], $0x4000  }
0x4c: {  	[sflag:s9] =	ssyncset.done $0x0  }
0x4d: {  	s30 =	simm.s32 $0x100;
	s13 =	simm.s32 $0x2;
	[sflag:s9] =	ssyncadd.s32 $0xFFFFC000  }
0x4e: {  	[tilespmem:s8], [sflag:$0x1] =	stream.indirect.gather [hbm4b:s4+s10], $0x80, s30, s10, $0xb8;
	[tilespmem:$0x1F000] =	vst v63  }
0x4f: {  	_ =	swait.ge [sflag:s13], $0x4000  }
0x50: {  	[sflag:s13] =	ssyncset.done $0x0  }
0x51: {  	s31 =	simm.s32 $0x1480;
	[sflag:s13] =	ssyncadd.s32 $0xFFFFC000  }
0x52: {  	[spmem:s2] =	stream.indirect.scatter.add.f32 [tilespmem:s11], [sflag:$0x3], $0x80, s31, s10, $0xb8;
	[tilespmem:$0x1F000] =	vst v63  }
0x53: {  	_ =	swait.ge [sflag:s9], $0x4000  }
0x54: {  	[sflag:s9] =	ssyncset.done $0x0  }
0x55: {  	s15 =	simm.s32 $0x180;
	s14 =	simm.s32 $0x400;
	[sflag:s9] =	ssyncadd.s32 $0xFFFFC000  }
.LBB2_4:
0x56: {  	[tilespmem:s11], [sflag:$0x2] =	stream.indirect.gather [hbm4b:s4+s10], $0x80, s15, s10, $0xb8;
	[tilespmem:$0x1F000] =	vst v63  }
0x57: {  	s15 =	smov.u32 s14  }
0x58: {  	p0 =	sne.s32 s14, $0x4800;
	s14 =	sadd.s32 $0x400, s14;
	_ =	swait.ge [sflag:s12], $0x4000  }
0x59: {  	s15 =	sshra.s32 s15, $0x2;
	[sflag:s12] =	ssyncset.done $0x0  }
0x5a: {  	s16 =	sadd.s32 $0x1400, s15;
	[sflag:s12] =	ssyncadd.s32 $0xFFFFC000  }
0x5b: {  	[spmem:s2] =	stream.indirect.scatter.add.f32 [tilespmem:s8], [sflag:$0x3], $0x80, s16, s10, $0xb8;
	[tilespmem:$0x1F000] =	vst v63  }
0x5c: {  	_ =	swait.ge [sflag:s9], $0x4000  }
0x5d: {  	[sflag:s9] =	ssyncset.done $0x0  }
0x5e: {  	s16 =	sadd.s32 $0x100, s15;
	[sflag:s9] =	ssyncadd.s32 $0xFFFFC000  }
0x5f: {  	[tilespmem:s8], [sflag:$0x1] =	stream.indirect.gather [hbm4b:s4+s10], $0x80, s16, s10, $0xb8;
	[tilespmem:$0x1F000] =	vst v63  }
0x60: {  	_ =	swait.ge [sflag:s13], $0x4000  }
0x61: {  	[sflag:s13] =	ssyncset.done $0x0  }
.Ltmp2:
0x62: {  	s16 =	sadd.s32 $0x1480, s15;
	[sflag:s13] =	ssyncadd.s32 $0xFFFFC000;
	(pc) =	sbr.rel @p0 .LBB2_4-.Ltmp2, $4  }
0x63: {  	[spmem:s2] =	stream.indirect.scatter.add.f32 [tilespmem:s11], [sflag:$0x3], $0x80, s16, s10, $0xb8;
	[tilespmem:$0x1F000] =	vst v63  }
0x64: {  	_ =	swait.ge [sflag:s9], $0x4000  }
0x65: {  	[sflag:s9] =	ssyncset.done $0x0  }
0x66: {  	s15 =	sadd.s32 $0x180, s15;
	[sflag:s9] =	ssyncadd.s32 $0xFFFFC000  }
0x67: {  	[tilespmem:s11], [sflag:$0x2] =	stream.indirect.gather [hbm4b:s4+s10], $0x80, s15, s10, $0xb8;
	[tilespmem:$0x1F000] =	vst v63  }
0x68: {  	s8 =	simm.s32 $0x1  }
0x69: {  	_ =	swait.ge [sflag:s8], $0x4000  }
0x6a: {  	s9 =	simm.s32 $0x80;
	s25 =	simm.s32 $0x2700;
	[sflag:s8] =	ssyncset.done $0x0  }
0x6b: {  	s10 =	simm.s32 $0x2800;
	s11 =	simm.s32 $0x3;
	[sflag:s8] =	ssyncadd.s32 $0xFFFFC000  }
0x6c: {  	[spmem:s2] =	stream.indirect.scatter.add.f32 [tilespmem:s10], [sflag:$0x3], $0x80, s25, s9, $0xb8;
	[tilespmem:$0x1F000] =	vst v63  }
0x6d: {  	_ =	swait.ge [sflag:s11], $0x4000  }
0x6e: {  	[sflag:s11] =	ssyncset.done $0x0  }
0x6f: {  	s12 =	simm.s32 $0x2;
	[sflag:s11] =	ssyncadd.s32 $0xFFFFC000  }
0x70: {  	_ =	swait.ge [sflag:s12], $0x4000  }
0x71: {  	[sflag:s12] =	ssyncset.done $0x0  }
0x72: {  	s14 =	simm.s32 $0x2780;
	s13 =	simm.s32 $0x6800;
	[sflag:s12] =	ssyncadd.s32 $0xFFFFC000  }
0x73: {  	[spmem:s2] =	stream.indirect.scatter.add.f32 [tilespmem:s13], [sflag:$0x3], $0x80, s14, s9, $0xb8;
	[tilespmem:$0x1F000] =	vst v63  }
0x74: {  	_ =	swait.ge [sflag:s11], $0x4000  }
0x75: {  	[sflag:s11] =	ssyncset.done $0x0  }
0x76: {  	s26 =	simm.s32 $0x0;
	[sflag:s11] =	ssyncadd.s32 $0xFFFFC000  }
0x77: {  	[tilespmem:s26], [sflag:$0x3] =	stream.linear.gather [hbm4b:s7+s26], $0x1400, $0x38;
	[tilespmem:$0x1F000] =	vst v63  }
0x78: {  	_ =	swait.ge [sflag:s11], $0x1400  }
0x79: {  	[sflag:s11] =	ssyncset.done $0x0  }
0x7a: {  	s28 =	simm.s32 $0x1400;
	[sflag:s11] =	ssyncadd.s32 $0xFFFFEC00  }
0x7b: {  	[tilespmem:s28], [sflag:$0x3] =	stream.linear.gather [hbm4b:s6+s26], $0x1400, $0x38;
	[tilespmem:$0x1F000] =	vst v63  }
0x7c: {  	_ =	swait.ge [sflag:s11], $0x1400  }
0x7d: {  	[sflag:s11] =	ssyncset.done $0x0  }
0x7e: {  	[sflag:s11] =	ssyncadd.s32 $0xFFFFEC00  }
0x7f: {  	[tilespmem:s10], [sflag:$0x1] =	stream.indirect.gather [hbm4b:s4+s9], $0x80, s26, s9, $0xb8;
	[tilespmem:$0x1F000] =	vst v63  }
0x80: {  	_ = 	snop  }
0x81: {  	[tilespmem:s13], [sflag:$0x2] =	stream.indirect.gather [hbm4b:s4+s9], $0x80, s9, s9, $0xb8;
	[tilespmem:$0x1F000] =	vst v63  }
0x82: {  	_ =	swait.ge [sflag:s8], $0x4000  }
0x83: {  	[sflag:s8] =	ssyncset.done $0x0  }
0x84: {  	s29 =	simm.s32 $0x1400;
	[sflag:s8] =	ssyncadd.s32 $0xFFFFC000  }
0x85: {  	[spmem:s2] =	stream.indirect.scatter.add.f32 [tilespmem:s10], [sflag:$0x3], $0x80, s29, s9, $0xb8;
	[tilespmem:$0x1F000] =	vst v63  }
0x86: {  	_ =	swait.ge [sflag:s11], $0x4000  }
0x87: {  	[sflag:s11] =	ssyncset.done $0x0  }
0x88: {  	s30 =	simm.s32 $0x100;
	[sflag:s11] =	ssyncadd.s32 $0xFFFFC000  }
0x89: {  	[tilespmem:s10], [sflag:$0x1] =	stream.indirect.gather [hbm4b:s4+s9], $0x80, s30, s9, $0xb8;
	[tilespmem:$0x1F000] =	vst v63  }
0x8a: {  	_ =	swait.ge [sflag:s12], $0x4000  }
0x8b: {  	[sflag:s12] =	ssyncset.done $0x0  }
0x8c: {  	s31 =	simm.s32 $0x1480;
	[sflag:s12] =	ssyncadd.s32 $0xFFFFC000  }
0x8d: {  	[spmem:s2] =	stream.indirect.scatter.add.f32 [tilespmem:s13], [sflag:$0x3], $0x80, s31, s9, $0xb8;
	[tilespmem:$0x1F000] =	vst v63  }
0x8e: {  	_ =	swait.ge [sflag:s11], $0x4000  }
0x8f: {  	[sflag:s11] =	ssyncset.done $0x0  }
0x90: {  	s7 =	simm.s32 $0x180;
	s6 =	simm.s32 $0x400;
	[sflag:s11] =	ssyncadd.s32 $0xFFFFC000  }
.LBB2_6:
0x91: {  	[tilespmem:s13], [sflag:$0x2] =	stream.indirect.gather [hbm4b:s4+s9], $0x80, s7, s9, $0xb8;
	[tilespmem:$0x1F000] =	vst v63  }
0x92: {  	s7 =	smov.u32 s6  }
0x93: {  	p0 =	sne.s32 s6, $0x4800;
	s6 =	sadd.s32 $0x400, s6;
	_ =	swait.ge [sflag:s8], $0x4000  }
0x94: {  	s7 =	sshra.s32 s7, $0x2;
	[sflag:s8] =	ssyncset.done $0x0  }
0x95: {  	s14 =	sadd.s32 $0x1400, s7;
	[sflag:s8] =	ssyncadd.s32 $0xFFFFC000  }
0x96: {  	[spmem:s2] =	stream.indirect.scatter.add.f32 [tilespmem:s10], [sflag:$0x3], $0x80, s14, s9, $0xb8;
	[tilespmem:$0x1F000] =	vst v63  }
0x97: {  	_ =	swait.ge [sflag:s11], $0x4000  }
0x98: {  	[sflag:s11] =	ssyncset.done $0x0  }
0x99: {  	s14 =	sadd.s32 $0x100, s7;
	[sflag:s11] =	ssyncadd.s32 $0xFFFFC000  }
0x9a: {  	[tilespmem:s10], [sflag:$0x1] =	stream.indirect.gather [hbm4b:s4+s9], $0x80, s14, s9, $0xb8;
	[tilespmem:$0x1F000] =	vst v63  }
0x9b: {  	_ =	swait.ge [sflag:s12], $0x4000  }
0x9c: {  	[sflag:s12] =	ssyncset.done $0x0  }
.Ltmp3:
0x9d: {  	s14 =	sadd.s32 $0x1480, s7;
	[sflag:s12] =	ssyncadd.s32 $0xFFFFC000;
	(pc) =	sbr.rel @p0 .LBB2_6-.Ltmp3, $4  }
0x9e: {  	[spmem:s2] =	stream.indirect.scatter.add.f32 [tilespmem:s13], [sflag:$0x3], $0x80, s14, s9, $0xb8;
	[tilespmem:$0x1F000] =	vst v63  }
0x9f: {  	_ =	swait.ge [sflag:s11], $0x4000  }
0xa0: {  	[sflag:s11] =	ssyncset.done $0x0  }
0xa1: {  	s7 =	sadd.s32 $0x180, s7;
	[sflag:s11] =	ssyncadd.s32 $0xFFFFC000  }
0xa2: {  	[tilespmem:s13], [sflag:$0x2] =	stream.indirect.gather [hbm4b:s4+s9], $0x80, s7, s9, $0xb8;
	[tilespmem:$0x1F000] =	vst v63  }
0xa3: {  	s24 =	simm.s32 $0x1  }
0xa4: {  	_ =	swait.ge [sflag:s24], $0x4000  }
0xa5: {  	s25 =	simm.s32 $0x80;
	s6 =	simm.s32 $0x2700;
	[sflag:s24] =	ssyncset.done $0x0  }
0xa6: {  	s26 =	simm.s32 $0x2800;
	s28 =	simm.s32 $0x3;
	[sflag:s24] =	ssyncadd.s32 $0xFFFFC000  }
0xa7: {  	[spmem:s2] =	stream.indirect.scatter.add.f32 [tilespmem:s26], [sflag:$0x3], $0x80, s6, s25, $0xb8;
	[tilespmem:$0x1F000] =	vst v63  }
0xa8: {  	_ =	swait.ge [sflag:s28], $0x4000  }
0xa9: {  	[sflag:s28] =	ssyncset.done $0x0  }
0xaa: {  	s29 =	simm.s32 $0x2;
	[sflag:s28] =	ssyncadd.s32 $0xFFFFC000  }
0xab: {  	_ =	swait.ge [sflag:s29], $0x4000  }
0xac: {  	[sflag:s29] =	ssyncset.done $0x0  }
0xad: {  	s30 =	simm.s32 $0x2780;
	s8 =	simm.s32 $0x6800;
	[sflag:s29] =	ssyncadd.s32 $0xFFFFC000  }
0xae: {  	[spmem:s2] =	stream.indirect.scatter.add.f32 [tilespmem:s8], [sflag:$0x3], $0x80, s30, s25, $0xb8;
	[tilespmem:$0x1F000] =	vst v63  }
0xaf: {  	_ =	swait.ge [sflag:s28], $0x4000  }
0xb0: {  	[sflag:s28] =	ssyncset.done $0x0  }
0xb1: {  	s31 =	sshll.u32 s1, $0x6;
	[sflag:s28] =	ssyncadd.s32 $0xFFFFC000  }
0xb2: {  	s3 =	sshrl.u32 s3, $0x3;
	s2 =	sor.u32 $0x1C03, s31;
	[bflag:$0x0] =	sbarrier.arrive $0xFFFF  }
0xb3: {  	[hbm:s5], [sflag:s2] =	dma.local [spmem:s3], $0x2900  }
0xb4: {  	_ =	swait.ge [sflag:s28], $0x2900  }
0xb5: {  	[sflag:s28] =	ssyncset.done $0x0  }
0xb6: {  	[sflag:s28] =	ssyncadd.s32 $0xFFFFD700  }
.LBB2_8:
0xb7: {  	_ =	sfence.sel $0x180000  }
0xb8: {  	[bflag:$0x0] =	sbarrier.arrive $0xFFFF  }
0xb9: {  	p0 =	sne.s32 s1, $0x0;
	_ =	strace $0x9000004D  }
0xba: {  	s0 =	sadd.s32 @!p0 $0x100000, s0;
	[bflag:$0x2] =	sbarrier.arrive $0xFFFF  }
0xbb: {  	[sflag:s0] =	ssyncadd.tile.s32 @!p0 $0x1;
	_ =	shalt  }
.Lfunc_end2:
_tile_overlayer_lowered:
.L_overlay_start_2:
0xbc: {  	(tag) =	ssettag $0x2  }
0xbd: {  	s0 =	rddreg [dreg:$0x0];
	s2 =	stileid.u32  }
0xbe: {  	s1 =	rddreg [dreg:$0x1];
	p0 =	sne.s32 s2, $0x0  }
0xbf: {  	s3 =	rddreg [dreg:$0x2];
	[bflag:$0x3] =	sbarrier.arrive $0xFFFF;
	s2 =	simm.s32 @!p0 $0x1C03  }
0xc0: {  	[timem:s3], [sflag:s2] =	dma.local @!p0 [hbm:s0], s1  }
0xc1: {  	s0 =	simm.s32 @!p0 $0x3  }
0xc2: {  	_ =	swait.ge @!p0 [sflag:s0], s1  }
0xc3: {  	s1 =	ssub.s32 @!p0 $0x0, s1;
	[sflag:s0] =	ssyncset.done @!p0 $0x0  }
0xc4: {  	[sflag:s0] =	ssyncadd.s32 @!p0 s1  }
0xc5: {  	[bflag:$0x3] =	sbarrier.arrive $0xFFFF  }
0xc6: {  	_ =	shalt  }

</sc_bundles>
